<compile_context>
chip_gen: v7x
topology: tpu7x:2x2x1
jax: 0.10.2.dev20260603
libtpu: 0.0.44.dev20260713+nightly
codegen_flags: <defaults>
</compile_context>

<pallas_src>
import functools

import jax
import jax.numpy as jnp
from jax import lax
from jax.experimental import pallas as pl
from jax.experimental.pallas import tpu as pltpu
from jax.experimental.pallas import tpu_sc as plsc

NC = 2
NS = 16
NW = NC * NS
B = 128
BLK = 1264

_MESH = functools.partial(
    plsc.VectorSubcoreMesh,
    core_axis_name="c", subcore_axis_name="s", num_cores=NC, num_subcores=NS,
)


def _worker_id():
    return lax.axis_index("c") * NS + lax.axis_index("s")


WD = 128


def _make_pass_a(N, D, NP, EPT):
    RPS = NP // NS
    NBX = NP // B
    TX = (NBX + NW - 1) // NW
    NBE = EPT // B

    NOUT = 8

    @functools.partial(
        pl.kernel,
        out_type=(
            jax.ShapeDtypeStruct((NP, D), jnp.float32),
            jax.ShapeDtypeStruct((NC, NP, WD), jnp.float32),
        ),
        mesh=_MESH(),
        scratch_types=[
            pltpu.VMEM((B,), jnp.int32),
            pltpu.VMEM((B, D), jnp.float32),
            pltpu.VMEM((B, WD), jnp.float32),
            pltpu.VMEM_SHARED((NP, WD), jnp.float32),
            pltpu.SemaphoreType.DMA,
        ],
    )
    def pass_a(emb_h, xind_h, col_h, ones_h, zer8_h, x_h, degp_h,
               idxv, rows, ones_v, deg_acc, sem):
        c = lax.axis_index("c")
        s = lax.axis_index("s")
        w = _worker_id()
        pltpu.sync_copy(zer8_h, deg_acc.at[pl.ds(s * RPS, RPS)])
        pltpu.sync_copy(ones_h, ones_v)
        plsc.subcore_barrier()

        def xgather(t, carry):
            bid = w + NW * t

            @pl.when(bid < NBX)
            def _():
                pltpu.sync_copy(xind_h.at[pl.ds(bid * B, B)], idxv)
                pltpu.async_copy(emb_h.at[idxv], rows, sem).wait()
                pltpu.sync_copy(rows, x_h.at[pl.ds(bid * B, B)])
            return carry

        lax.fori_loop(0, TX, xgather, 0)

        def deg_scatter(bi, carry):
            base = w * EPT + bi * B
            pltpu.sync_copy(col_h.at[pl.ds(base, B)], idxv)
            pltpu.sync_copy(ones_v, deg_acc.at[idxv], add=True)
            return carry

        lax.fori_loop(0, NBE, deg_scatter, 0)
        plsc.subcore_barrier()
        pltpu.sync_copy(deg_acc.at[pl.ds(s * RPS, RPS)],
                        degp_h.at[c, pl.ds(s * RPS, RPS)])

    return pass_a


def _make_prop(D, NP, NB):
    RPS = NP // NS
    assert NB % 2 == 0

    @functools.partial(
        pl.kernel,
        out_type=jax.ShapeDtypeStruct((NP, D), jnp.float32),
        mesh=_MESH(),
        scratch_types=[
            pltpu.VMEM((B,), jnp.int32),
            pltpu.VMEM((B,), jnp.int32),
            pltpu.VMEM((B,), jnp.int32),
            pltpu.VMEM((B,), jnp.int32),
            pltpu.VMEM((B, D), jnp.float32),
            pltpu.VMEM((B, D), jnp.float32),
            pltpu.VMEM_SHARED((NP, D), jnp.float32),
            pltpu.SemaphoreType.DMA,
            pltpu.SemaphoreType.DMA,
            pltpu.SemaphoreType.DMA,
            pltpu.SemaphoreType.DMA,
        ],
    )
    def prop(z_h, row_h, col_h, sp_h, rv0, rv1, cv0, cv1, rows0, rows1,
             acc, irsem, icsem, gsem, ssem):
        c = lax.axis_index("c")
        s = lax.axis_index("s")
        rv = (rv0, rv1)
        cv = (cv0, cv1)
        rows = (rows0, rows1)

        @pl.when(c == 0)
        def _run():
            ebase = s * NB * B

            def fire_ridx(i, p):
                pltpu.async_copy(
                    row_h.at[pl.ds(ebase + i * B, B)], rv[p], irsem)

            def wait_ridx():
                pltpu.make_async_copy(
                    row_h.at[pl.ds(0, B)], rv0, irsem).wait()

            def fire_cidx(i, p):
                pltpu.async_copy(
                    col_h.at[pl.ds(ebase + i * B, B)], cv[p], icsem)

            def wait_cidx():
                pltpu.make_async_copy(
                    col_h.at[pl.ds(0, B)], cv0, icsem).wait()

            def fire_gather(p):
                pltpu.async_copy(z_h.at[rv[p]], rows[p], gsem)

            def wait_gather():
                pltpu.make_async_copy(z_h.at[rv0], rows0, gsem).wait()

            def fire_scatter(p):
                pltpu.async_copy(rows[p], acc.at[cv[p]], ssem, add=True)

            def wait_scatter():
                pltpu.make_async_copy(rows0, acc.at[cv0], ssem).wait()

            pltpu.sync_copy(z_h.at[pl.ds(s * RPS, RPS)],
                            acc.at[pl.ds(s * RPS, RPS)])
            plsc.subcore_barrier()

            fire_ridx(0, 0)
            fire_ridx(1, 1)
            fire_cidx(0, 0)
            wait_ridx()
            fire_gather(0)

            def pair(g, carry):
                for jj in range(2):
                    i = 2 * g + jj
                    wait_gather()
                    wait_cidx()
                    fire_scatter(jj)

                    @pl.when(i + 2 < NB)
                    def _():
                        fire_ridx(i + 2, jj)

                    @pl.when(i >= 1)
                    def _():
                        wait_scatter()

                    @pl.when(i + 1 < NB)
                    def _():
                        fire_cidx(i + 1, 1 - jj)
                        wait_ridx()
                        fire_gather(1 - jj)
                return carry

            lax.fori_loop(0, NB // 2, pair, 0)
            wait_scatter()
            plsc.subcore_barrier()
            pltpu.sync_copy(acc.at[pl.ds(s * RPS, RPS)],
                            sp_h.at[pl.ds(s * RPS, RPS)])

    return prop


def _deg_of(degp_ref):
    return degp_ref[0, :, 0] + degp_ref[1, :, 0] + 1.0


def _scale_z0(degp_ref, x_ref, z_ref, r8_ref):
    r = lax.rsqrt(_deg_of(degp_ref))
    z_ref[...] = x_ref[...] * r[:, None]
    r8_ref[...] = r[:, None] * jnp.ones((1, 8), jnp.float32)


def _combine_mid(r8_ref, sp_ref, z1_ref):
    r = r8_ref[...][:, 0]
    z1_ref[...] = sp_ref[...] * (r * r)[:, None]


def _final(r8_ref, sp_ref, wt_ref, b_ref, out_ref):
    r = r8_ref[...][:, 0]
    x2 = sp_ref[...] * r[:, None]
    out_ref[...] = (
        jnp.dot(x2, wt_ref[...], preferred_element_type=jnp.float32)
        + b_ref[...]
    )


def kernel(x_indices, ei, emb_table, W, b):
    N, D = emb_table.shape
    OUT = W.shape[0]
    E = ei.shape[1]

    NP = (N // B + 1) * B
    assert NP % NW == 0 and NP % BLK == 0
    NB = -(-E // (NS * B * 2)) * 2
    EPP = NS * NB * B

    row_flat = jnp.concatenate([ei[0], jnp.zeros((EPP - E,), jnp.int32)])
    col_flat = jnp.concatenate([ei[1], jnp.full((EPP - E,), N, jnp.int32)])
    EPT_A = EPP // NW
    xind_pad = jnp.concatenate(
        [x_indices.astype(jnp.int32), jnp.zeros((NP - N,), jnp.int32)])
    ones8 = jnp.ones((B, WD), jnp.float32)
    zer8 = jnp.zeros((NP // NS, WD), jnp.float32)
    wt = W.T
    b2 = b.reshape(1, OUT)

    x, degp = _make_pass_a(N, D, NP, EPT_A)(
        emb_table, xind_pad, col_flat, ones8, zer8)

    grid = (NP // BLK,)
    degp_spec = pl.BlockSpec((NC, BLK, WD), lambda i: (0, i, 0))
    r8_spec = pl.BlockSpec((BLK, 8), lambda i: (i, 0))
    row_spec = pl.BlockSpec((BLK, D), lambda i: (i, 0))

    z0, r8 = pl.pallas_call(
        _scale_z0,
        grid=grid,
        in_specs=[degp_spec, row_spec],
        out_specs=[row_spec, r8_spec],
        out_shape=[jax.ShapeDtypeStruct((NP, D), jnp.float32),
                   jax.ShapeDtypeStruct((NP, 8), jnp.float32)],
    )(degp, x)

    prop = _make_prop(D, NP, NB)
    sp1 = prop(z0, row_flat, col_flat)

    z1 = pl.pallas_call(
        _combine_mid,
        grid=grid,
        in_specs=[r8_spec, row_spec],
        out_specs=row_spec,
        out_shape=jax.ShapeDtypeStruct((NP, D), jnp.float32),
    )(r8, sp1)

    sp2 = prop(z1, row_flat, col_flat)

    out = pl.pallas_call(
        _final,
        grid=grid,
        in_specs=[
            r8_spec, row_spec,
            pl.BlockSpec((D, OUT), lambda i: (0, 0)),
            pl.BlockSpec((1, OUT), lambda i: (0, 0)),
        ],
        out_specs=pl.BlockSpec((BLK, OUT), lambda i: (i, 0)),
        out_shape=jax.ShapeDtypeStruct((NP, OUT), jnp.float32),
    )(r8, sp2, wt, b2)

    return out[:N]

# --- scband reference (transcript-rebuilt; emitter-appended) ---
"""Pipeline reference for scband-sgconv-net-53815940219575 (READ-ONLY COPY).

The authoritative reference and input builder live on the scoring server;
editing this copy changes nothing except your own understanding.
"""

import jax
import jax.numpy as jnp
import numpy as np

N = 10000
E = 320000
D = 128
OUT = 128
K = 2


def setup_inputs(seed: int = 0) -> dict:
    key = jax.random.key(seed)
    k1, k2, k3 = jax.random.split(key, 3)
    x_indices = jnp.arange(N, dtype=jnp.int32)
    ei = jax.random.randint(k2, (2, E), 0, N, dtype=jnp.int32)
    emb_table = jax.random.normal(k1, (N, D), dtype=jnp.float32)
    W = jax.random.normal(k3, (OUT, D), dtype=jnp.float32) * 0.05
    b = jnp.zeros((OUT,), dtype=jnp.float32)
    return {"x_indices": x_indices, "ei": ei, "emb_table": emb_table, "W": W, "b": b}


def reference(x_indices, ei, emb_table, W, b):
    # Embedding lookup
    x = jnp.take(emb_table, x_indices, axis=0)
    n = x.shape[0]
    # gcn_norm with added self-loops (PyG SGConv default)
    loop = jnp.arange(n, dtype=ei.dtype)
    row = jnp.concatenate([ei[0], loop])
    col = jnp.concatenate([ei[1], loop])
    ew = jnp.ones(row.shape[0], dtype=x.dtype)
    deg = jax.ops.segment_sum(ew, col, num_segments=n)
    deg_inv_sqrt = jnp.where(deg > 0, deg ** -0.5, 0.0)
    norm = deg_inv_sqrt[row] * ew * deg_inv_sqrt[col]
    # K rounds of propagation: x <- D^{-1/2} A_hat D^{-1/2} x
    for _ in range(K):
        msgs = norm[:, None] * jnp.take(x, row, axis=0)
        x = jax.ops.segment_sum(msgs, col, num_segments=n)
    # Final linear transform
    out = x @ W.T + b
    return out

if __name__ == "__main__":
    import jax
    _d = setup_inputs()
    print(jax.jit(kernel)(*tuple(_d.values())))

</pallas_src>

<mosaic_0001>
#map = affine_map<(d0, d1) -> (0, 0)>
#map1 = affine_map<(d0, d1) -> (0)>
module attributes {stable_mosaic.version = 14 : i64} {
  func.func @prop(%arg0: i32, %arg1: i32, %arg2: memref<10112x128xf32, #tpu.memory_space<hbm>>, %arg3: memref<323584xi32, #tpu.memory_space<hbm>>, %arg4: memref<323584xi32, #tpu.memory_space<hbm>>, %arg5: memref<10112x128xf32, #tpu.memory_space<hbm>>, %arg6: memref<128xi32, #tpu.memory_space<vmem>>, %arg7: memref<128xi32, #tpu.memory_space<vmem>>, %arg8: memref<128xi32, #tpu.memory_space<vmem>>, %arg9: memref<128xi32, #tpu.memory_space<vmem>>, %arg10: memref<128x128xf32, #tpu.memory_space<vmem>>, %arg11: memref<128x128xf32, #tpu.memory_space<vmem>>, %arg12: memref<10112x128xf32, #tpu.memory_space<vmem_shared>>, %arg13: memref<!tpu.dma_semaphore, #tpu.memory_space<semaphore_mem>>, %arg14: memref<!tpu.dma_semaphore, #tpu.memory_space<semaphore_mem>>, %arg15: memref<!tpu.dma_semaphore, #tpu.memory_space<semaphore_mem>>, %arg16: memref<!tpu.dma_semaphore, #tpu.memory_space<semaphore_mem>>) attributes {dimension_semantics = [#tpu.dimension_semantics<core_parallel>, #tpu.dimension_semantics<subcore_parallel>], iteration_bounds = array<i64: 2, 16>, scalar_prefetch = 0 : i64, scratch_operands = 11 : i64, tpu.core_type = #tpu.core_type<sc_vector_subcore>, window_params = [{transform_indices = #map}, {transform_indices = #map1}, {transform_indices = #map1}, {transform_indices = #map}]} {
    %eq3A = arith.constant 0 : i32
    %eq3A_0 = arith.cmpi eq, %arg0, %eq3A : i32
    %convert_element_type3A = arith.extui %eq3A_0 : i1 to i32
    %cond3A = arith.constant 0 : i32
    %cond3A_1 = arith.cmpi ne, %convert_element_type3A, %cond3A : i32
    scf.if %cond3A_1 {
      %mul3A = arith.constant 158 : i32
      %mul3A_2 = arith.muli %arg1, %mul3A : i32
      %mul3A_3 = arith.constant 128 : i32
      %mul3A_4 = arith.muli %mul3A_2, %mul3A_3 : i32
      %mul3A_5 = arith.constant 632 : i32
      %mul3A_6 = arith.muli %arg1, %mul3A_5 : i32
      %mul3A_7 = arith.constant 632 : i32
      %mul3A_8 = arith.muli %arg1, %mul3A_7 : i32
      "tpu.region"() ({
        %run_scoped3A = tpu.sem_alloc : memref<!tpu.dma_semaphore, #tpu.memory_space<semaphore_mem>>
        %dma_start3A_38 = arith.constant 0 : i32
        %dma_start3A_39 = tpu.memref_slice %arg12[%mul3A_8, %dma_start3A_38] : memref<10112x128xf32, #tpu.memory_space<vmem_shared>> -> memref<632x128xf32, #tpu.memory_space<vmem_shared>>
        %dma_start3A_40 = arith.constant 0 : i32
        %dma_start3A_41 = tpu.memref_slice %arg2[%mul3A_6, %dma_start3A_40] : memref<10112x128xf32, #tpu.memory_space<hbm>> -> memref<632x128xf32, #tpu.memory_space<hbm>>
        tpu.enqueue_dma source(%dma_start3A_41 : memref<632x128xf32, #tpu.memory_space<hbm>>) target(%dma_start3A_39 : memref<632x128xf32, #tpu.memory_space<vmem_shared>>) target_semaphore(%run_scoped3A : memref<!tpu.dma_semaphore, #tpu.memory_space<semaphore_mem>>)
        %dma_wait3A_42 = arith.constant 0 : i32
        %dma_wait3A_43 = tpu.memref_slice %arg12[%mul3A_8, %dma_wait3A_42] : memref<10112x128xf32, #tpu.memory_space<vmem_shared>> -> memref<632x128xf32, #tpu.memory_space<vmem_shared>>
        %dma_wait3A_44 = arith.constant 0 : i32
        %dma_wait3A_45 = tpu.memref_slice %arg2[%mul3A_6, %dma_wait3A_44] : memref<10112x128xf32, #tpu.memory_space<hbm>> -> memref<632x128xf32, #tpu.memory_space<hbm>>
        tpu.wait_dma2 semaphore(%run_scoped3A : memref<!tpu.dma_semaphore, #tpu.memory_space<semaphore_mem>>) src(%dma_wait3A_45 : memref<632x128xf32, #tpu.memory_space<hbm>>) dst(%dma_wait3A_43 : memref<632x128xf32, #tpu.memory_space<vmem_shared>>)
        tpu.yield
      }) : () -> ()
      %barrier3A = arith.constant 0 : index
      tpu.barrier barrier_id(%barrier3A)
      %add3A = arith.constant 0 : i32
      %add3A_9 = arith.addi %mul3A_4, %add3A : i32
      %dma_start3A = tpu.memref_slice %arg3[%add3A_9] : memref<323584xi32, #tpu.memory_space<hbm>> -> memref<128xi32, #tpu.memory_space<hbm>>
      %dma_start3A_10 = tpu.memref_slice %arg3[%add3A_9] : memref<323584xi32, #tpu.memory_space<hbm>> -> memref<128xi32, #tpu.memory_space<hbm>>
      tpu.enqueue_dma source(%dma_start3A_10 : memref<128xi32, #tpu.memory_space<hbm>>) target(%arg6 : memref<128xi32, #tpu.memory_space<vmem>>) target_semaphore(%arg13 : memref<!tpu.dma_semaphore, #tpu.memory_space<semaphore_mem>>)
      %add3A_11 = arith.constant 128 : i32
      %add3A_12 = arith.addi %mul3A_4, %add3A_11 : i32
      %dma_start3A_13 = tpu.memref_slice %arg3[%add3A_12] : memref<323584xi32, #tpu.memory_space<hbm>> -> memref<128xi32, #tpu.memory_space<hbm>>
      %dma_start3A_14 = tpu.memref_slice %arg3[%add3A_12] : memref<323584xi32, #tpu.memory_space<hbm>> -> memref<128xi32, #tpu.memory_space<hbm>>
      tpu.enqueue_dma source(%dma_start3A_14 : memref<128xi32, #tpu.memory_space<hbm>>) target(%arg7 : memref<128xi32, #tpu.memory_space<vmem>>) target_semaphore(%arg13 : memref<!tpu.dma_semaphore, #tpu.memory_space<semaphore_mem>>)
      %add3A_15 = arith.constant 0 : i32
      %add3A_16 = arith.addi %mul3A_4, %add3A_15 : i32
      %dma_start3A_17 = tpu.memref_slice %arg4[%add3A_16] : memref<323584xi32, #tpu.memory_space<hbm>> -> memref<128xi32, #tpu.memory_space<hbm>>
      %dma_start3A_18 = tpu.memref_slice %arg4[%add3A_16] : memref<323584xi32, #tpu.memory_space<hbm>> -> memref<128xi32, #tpu.memory_space<hbm>>
      tpu.enqueue_dma source(%dma_start3A_18 : memref<128xi32, #tpu.memory_space<hbm>>) target(%arg8 : memref<128xi32, #tpu.memory_space<vmem>>) target_semaphore(%arg14 : memref<!tpu.dma_semaphore, #tpu.memory_space<semaphore_mem>>)
      %dma_wait3A = arith.constant 0 : i32
      %dma_wait3A_19 = tpu.memref_slice %arg3[%dma_wait3A] : memref<323584xi32, #tpu.memory_space<hbm>> -> memref<128xi32, #tpu.memory_space<hbm>>
      %dma_wait3A_20 = arith.constant 0 : i32
      %dma_wait3A_21 = tpu.memref_slice %arg3[%dma_wait3A_20] : memref<323584xi32, #tpu.memory_space<hbm>> -> memref<128xi32, #tpu.memory_space<hbm>>
      tpu.wait_dma2 semaphore(%arg13 : memref<!tpu.dma_semaphore, #tpu.memory_space<semaphore_mem>>) src(%dma_wait3A_21 : memref<128xi32, #tpu.memory_space<hbm>>) dst(%arg6 : memref<128xi32, #tpu.memory_space<vmem>>)
      %dma_start3A_22 = arith.constant 0 : i32
      %dma_start3A_23 = arith.constant 0 : i32
      %dma_start3A_24 = tpu.memref_slice %arg2[%dma_start3A_22, %dma_start3A_23] : memref<10112x128xf32, #tpu.memory_space<hbm>> -> memref<10112x128xf32, #tpu.memory_space<hbm>>
      tpu.enqueue_indirect_dma source(%dma_start3A_24 : memref<10112x128xf32, #tpu.memory_space<hbm>>) target(%arg10 : memref<128x128xf32, #tpu.memory_space<vmem>>) offsets(%arg6 : memref<128xi32, #tpu.memory_space<vmem>>) semaphore(%arg15 : memref<!tpu.dma_semaphore, #tpu.memory_space<semaphore_mem>>)
      %scan3A = arith.constant 0 : i32
      %scan3A_25 = arith.constant 0 : i32
      %scan3A_26 = arith.constant 79 : i32
      %scan3A_27 = arith.addi %scan3A_25, %scan3A_26 : i32
      %scan3A_28 = arith.constant 1 : i32
      scf.for %scan3A_38 = %scan3A_25 to %scan3A_27 step %scan3A_28  : i32 {
        %mul3A_39 = arith.constant 2 : i32
        %mul3A_40 = arith.muli %mul3A_39, %scan3A_38 : i32
        %add3A_41 = arith.constant 0 : i32
        %add3A_42 = arith.addi %mul3A_40, %add3A_41 : i32
        %dma_wait3A_43 = arith.constant 0 : i32
        %dma_wait3A_44 = arith.constant 0 : i32
        %dma_wait3A_45 = tpu.memref_slice %arg2[%dma_wait3A_43, %dma_wait3A_44] : memref<10112x128xf32, #tpu.memory_space<hbm>> -> memref<10112x128xf32, #tpu.memory_space<hbm>>
        tpu.wait_indirect_dma semaphore(%arg15 : memref<!tpu.dma_semaphore, #tpu.memory_space<semaphore_mem>>) src(%dma_wait3A_45 : memref<10112x128xf32, #tpu.memory_space<hbm>>) dst(%arg10 : memref<128x128xf32, #tpu.memory_space<vmem>>)
        %dma_wait3A_46 = arith.constant 0 : i32
        %dma_wait3A_47 = tpu.memref_slice %arg4[%dma_wait3A_46] : memref<323584xi32, #tpu.memory_space<hbm>> -> memref<128xi32, #tpu.memory_space<hbm>>
        %dma_wait3A_48 = arith.constant 0 : i32
        %dma_wait3A_49 = tpu.memref_slice %arg4[%dma_wait3A_48] : memref<323584xi32, #tpu.memory_space<hbm>> -> memref<128xi32, #tpu.memory_space<hbm>>
        tpu.wait_dma2 semaphore(%arg14 : memref<!tpu.dma_semaphore, #tpu.memory_space<semaphore_mem>>) src(%dma_wait3A_49 : memref<128xi32, #tpu.memory_space<hbm>>) dst(%arg8 : memref<128xi32, #tpu.memory_space<vmem>>)
        %dma_start3A_50 = arith.constant 0 : i32
        %dma_start3A_51 = arith.constant 0 : i32
        %dma_start3A_52 = tpu.memref_slice %arg12[%dma_start3A_50, %dma_start3A_51] : memref<10112x128xf32, #tpu.memory_space<vmem_shared>> -> memref<10112x128xf32, #tpu.memory_space<vmem_shared>>
        tpu.enqueue_indirect_dma source(%arg10 : memref<128x128xf32, #tpu.memory_space<vmem>>) target(%dma_start3A_52 : memref<10112x128xf32, #tpu.memory_space<vmem_shared>>) offsets(%arg8 : memref<128xi32, #tpu.memory_space<vmem>>) semaphore(%arg16 : memref<!tpu.dma_semaphore, #tpu.memory_space<semaphore_mem>>) {add = true}
        %add3A_53 = arith.constant 2 : i32
        %add3A_54 = arith.addi %add3A_42, %add3A_53 : i32
        %lt3A = arith.constant 158 : i32
        %lt3A_55 = arith.cmpi slt, %add3A_54, %lt3A : i32
        %convert_element_type3A_56 = arith.extui %lt3A_55 : i1 to i32
        %cond3A_57 = arith.constant 0 : i32
        %cond3A_58 = arith.cmpi ne, %convert_element_type3A_56, %cond3A_57 : i32
        scf.if %cond3A_58 {
          %add3A_103 = arith.constant 2 : i32
          %add3A_104 = arith.addi %add3A_42, %add3A_103 : i32
          %mul3A_105 = arith.constant 128 : i32
          %mul3A_106 = arith.muli %add3A_104, %mul3A_105 : i32
          %add3A_107 = arith.addi %mul3A_4, %mul3A_106 : i32
          %dma_start3A_108 = tpu.memref_slice %arg3[%add3A_107] : memref<323584xi32, #tpu.memory_space<hbm>> -> memref<128xi32, #tpu.memory_space<hbm>>
          %dma_start3A_109 = tpu.memref_slice %arg3[%add3A_107] : memref<323584xi32, #tpu.memory_space<hbm>> -> memref<128xi32, #tpu.memory_space<hbm>>
          tpu.enqueue_dma source(%dma_start3A_109 : memref<128xi32, #tpu.memory_space<hbm>>) target(%arg6 : memref<128xi32, #tpu.memory_space<vmem>>) target_semaphore(%arg13 : memref<!tpu.dma_semaphore, #tpu.memory_space<semaphore_mem>>)
        } else {
        }
        %ge3A = arith.constant 1 : i32
        %ge3A_59 = arith.cmpi sge, %add3A_42, %ge3A : i32
        %convert_element_type3A_60 = arith.extui %ge3A_59 : i1 to i32
        %cond3A_61 = arith.constant 0 : i32
        %cond3A_62 = arith.cmpi ne, %convert_element_type3A_60, %cond3A_61 : i32
        scf.if %cond3A_62 {
          %dma_wait3A_103 = arith.constant 0 : i32
          %dma_wait3A_104 = arith.constant 0 : i32
          %dma_wait3A_105 = tpu.memref_slice %arg12[%dma_wait3A_103, %dma_wait3A_104] : memref<10112x128xf32, #tpu.memory_space<vmem_shared>> -> memref<10112x128xf32, #tpu.memory_space<vmem_shared>>
          tpu.wait_indirect_dma semaphore(%arg16 : memref<!tpu.dma_semaphore, #tpu.memory_space<semaphore_mem>>) src(%arg10 : memref<128x128xf32, #tpu.memory_space<vmem>>) dst(%dma_wait3A_105 : memref<10112x128xf32, #tpu.memory_space<vmem_shared>>)
        } else {
        }
        %add3A_63 = arith.constant 1 : i32
        %add3A_64 = arith.addi %add3A_42, %add3A_63 : i32
        %lt3A_65 = arith.constant 158 : i32
        %lt3A_66 = arith.cmpi slt, %add3A_64, %lt3A_65 : i32
        %convert_element_type3A_67 = arith.extui %lt3A_66 : i1 to i32
        %cond3A_68 = arith.constant 0 : i32
        %cond3A_69 = arith.cmpi ne, %convert_element_type3A_67, %cond3A_68 : i32
        scf.if %cond3A_69 {
          %add3A_103 = arith.constant 1 : i32
          %add3A_104 = arith.addi %add3A_42, %add3A_103 : i32
          %mul3A_105 = arith.constant 128 : i32
          %mul3A_106 = arith.muli %add3A_104, %mul3A_105 : i32
          %add3A_107 = arith.addi %mul3A_4, %mul3A_106 : i32
          %dma_start3A_108 = tpu.memref_slice %arg4[%add3A_107] : memref<323584xi32, #tpu.memory_space<hbm>> -> memref<128xi32, #tpu.memory_space<hbm>>
          %dma_start3A_109 = tpu.memref_slice %arg4[%add3A_107] : memref<323584xi32, #tpu.memory_space<hbm>> -> memref<128xi32, #tpu.memory_space<hbm>>
          tpu.enqueue_dma source(%dma_start3A_109 : memref<128xi32, #tpu.memory_space<hbm>>) target(%arg9 : memref<128xi32, #tpu.memory_space<vmem>>) target_semaphore(%arg14 : memref<!tpu.dma_semaphore, #tpu.memory_space<semaphore_mem>>)
          %dma_wait3A_110 = arith.constant 0 : i32
          %dma_wait3A_111 = tpu.memref_slice %arg3[%dma_wait3A_110] : memref<323584xi32, #tpu.memory_space<hbm>> -> memref<128xi32, #tpu.memory_space<hbm>>
          %dma_wait3A_112 = arith.constant 0 : i32
          %dma_wait3A_113 = tpu.memref_slice %arg3[%dma_wait3A_112] : memref<323584xi32, #tpu.memory_space<hbm>> -> memref<128xi32, #tpu.memory_space<hbm>>
          tpu.wait_dma2 semaphore(%arg13 : memref<!tpu.dma_semaphore, #tpu.memory_space<semaphore_mem>>) src(%dma_wait3A_113 : memref<128xi32, #tpu.memory_space<hbm>>) dst(%arg6 : memref<128xi32, #tpu.memory_space<vmem>>)
          %dma_start3A_114 = arith.constant 0 : i32
          %dma_start3A_115 = arith.constant 0 : i32
          %dma_start3A_116 = tpu.memref_slice %arg2[%dma_start3A_114, %dma_start3A_115] : memref<10112x128xf32, #tpu.memory_space<hbm>> -> memref<10112x128xf32, #tpu.memory_space<hbm>>
          tpu.enqueue_indirect_dma source(%dma_start3A_116 : memref<10112x128xf32, #tpu.memory_space<hbm>>) target(%arg11 : memref<128x128xf32, #tpu.memory_space<vmem>>) offsets(%arg7 : memref<128xi32, #tpu.memory_space<vmem>>) semaphore(%arg15 : memref<!tpu.dma_semaphore, #tpu.memory_space<semaphore_mem>>)
        } else {
        }
        %mul3A_70 = arith.constant 2 : i32
        %mul3A_71 = arith.muli %mul3A_70, %scan3A_38 : i32
        %add3A_72 = arith.constant 1 : i32
        %add3A_73 = arith.addi %mul3A_71, %add3A_72 : i32
        %dma_wait3A_74 = arith.constant 0 : i32
        %dma_wait3A_75 = arith.constant 0 : i32
        %dma_wait3A_76 = tpu.memref_slice %arg2[%dma_wait3A_74, %dma_wait3A_75] : memref<10112x128xf32, #tpu.memory_space<hbm>> -> memref<10112x128xf32, #tpu.memory_space<hbm>>
        tpu.wait_indirect_dma semaphore(%arg15 : memref<!tpu.dma_semaphore, #tpu.memory_space<semaphore_mem>>) src(%dma_wait3A_76 : memref<10112x128xf32, #tpu.memory_space<hbm>>) dst(%arg10 : memref<128x128xf32, #tpu.memory_space<vmem>>)
        %dma_wait3A_77 = arith.constant 0 : i32
        %dma_wait3A_78 = tpu.memref_slice %arg4[%dma_wait3A_77] : memref<323584xi32, #tpu.memory_space<hbm>> -> memref<128xi32, #tpu.memory_space<hbm>>
        %dma_wait3A_79 = arith.constant 0 : i32
        %dma_wait3A_80 = tpu.memref_slice %arg4[%dma_wait3A_79] : memref<323584xi32, #tpu.memory_space<hbm>> -> memref<128xi32, #tpu.memory_space<hbm>>
        tpu.wait_dma2 semaphore(%arg14 : memref<!tpu.dma_semaphore, #tpu.memory_space<semaphore_mem>>) src(%dma_wait3A_80 : memref<128xi32, #tpu.memory_space<hbm>>) dst(%arg8 : memref<128xi32, #tpu.memory_space<vmem>>)
        %dma_start3A_81 = arith.constant 0 : i32
        %dma_start3A_82 = arith.constant 0 : i32
        %dma_start3A_83 = tpu.memref_slice %arg12[%dma_start3A_81, %dma_start3A_82] : memref<10112x128xf32, #tpu.memory_space<vmem_shared>> -> memref<10112x128xf32, #tpu.memory_space<vmem_shared>>
        tpu.enqueue_indirect_dma source(%arg11 : memref<128x128xf32, #tpu.memory_space<vmem>>) target(%dma_start3A_83 : memref<10112x128xf32, #tpu.memory_space<vmem_shared>>) offsets(%arg9 : memref<128xi32, #tpu.memory_space<vmem>>) semaphore(%arg16 : memref<!tpu.dma_semaphore, #tpu.memory_space<semaphore_mem>>) {add = true}
        %add3A_84 = arith.constant 2 : i32
        %add3A_85 = arith.addi %add3A_73, %add3A_84 : i32
        %lt3A_86 = arith.constant 158 : i32
        %lt3A_87 = arith.cmpi slt, %add3A_85, %lt3A_86 : i32
        %convert_element_type3A_88 = arith.extui %lt3A_87 : i1 to i32
        %cond3A_89 = arith.constant 0 : i32
        %cond3A_90 = arith.cmpi ne, %convert_element_type3A_88, %cond3A_89 : i32
        scf.if %cond3A_90 {
          %add3A_103 = arith.constant 2 : i32
          %add3A_104 = arith.addi %add3A_73, %add3A_103 : i32
          %mul3A_105 = arith.constant 128 : i32
          %mul3A_106 = arith.muli %add3A_104, %mul3A_105 : i32
          %add3A_107 = arith.addi %mul3A_4, %mul3A_106 : i32
          %dma_start3A_108 = tpu.memref_slice %arg3[%add3A_107] : memref<323584xi32, #tpu.memory_space<hbm>> -> memref<128xi32, #tpu.memory_space<hbm>>
          %dma_start3A_109 = tpu.memref_slice %arg3[%add3A_107] : memref<323584xi32, #tpu.memory_space<hbm>> -> memref<128xi32, #tpu.memory_space<hbm>>
          tpu.enqueue_dma source(%dma_start3A_109 : memref<128xi32, #tpu.memory_space<hbm>>) target(%arg7 : memref<128xi32, #tpu.memory_space<vmem>>) target_semaphore(%arg13 : memref<!tpu.dma_semaphore, #tpu.memory_space<semaphore_mem>>)
        } else {
        }
        %ge3A_91 = arith.constant 1 : i32
        %ge3A_92 = arith.cmpi sge, %add3A_73, %ge3A_91 : i32
        %convert_element_type3A_93 = arith.extui %ge3A_92 : i1 to i32
        %cond3A_94 = arith.constant 0 : i32
        %cond3A_95 = arith.cmpi ne, %convert_element_type3A_93, %cond3A_94 : i32
        scf.if %cond3A_95 {
          %dma_wait3A_103 = arith.constant 0 : i32
          %dma_wait3A_104 = arith.constant 0 : i32
          %dma_wait3A_105 = tpu.memref_slice %arg12[%dma_wait3A_103, %dma_wait3A_104] : memref<10112x128xf32, #tpu.memory_space<vmem_shared>> -> memref<10112x128xf32, #tpu.memory_space<vmem_shared>>
          tpu.wait_indirect_dma semaphore(%arg16 : memref<!tpu.dma_semaphore, #tpu.memory_space<semaphore_mem>>) src(%arg10 : memref<128x128xf32, #tpu.memory_space<vmem>>) dst(%dma_wait3A_105 : memref<10112x128xf32, #tpu.memory_space<vmem_shared>>)
        } else {
        }
        %add3A_96 = arith.constant 1 : i32
        %add3A_97 = arith.addi %add3A_73, %add3A_96 : i32
        %lt3A_98 = arith.constant 158 : i32
        %lt3A_99 = arith.cmpi slt, %add3A_97, %lt3A_98 : i32
        %convert_element_type3A_100 = arith.extui %lt3A_99 : i1 to i32
        %cond3A_101 = arith.constant 0 : i32
        %cond3A_102 = arith.cmpi ne, %convert_element_type3A_100, %cond3A_101 : i32
        scf.if %cond3A_102 {
          %add3A_103 = arith.constant 1 : i32
          %add3A_104 = arith.addi %add3A_73, %add3A_103 : i32
          %mul3A_105 = arith.constant 128 : i32
          %mul3A_106 = arith.muli %add3A_104, %mul3A_105 : i32
          %add3A_107 = arith.addi %mul3A_4, %mul3A_106 : i32
          %dma_start3A_108 = tpu.memref_slice %arg4[%add3A_107] : memref<323584xi32, #tpu.memory_space<hbm>> -> memref<128xi32, #tpu.memory_space<hbm>>
          %dma_start3A_109 = tpu.memref_slice %arg4[%add3A_107] : memref<323584xi32, #tpu.memory_space<hbm>> -> memref<128xi32, #tpu.memory_space<hbm>>
          tpu.enqueue_dma source(%dma_start3A_109 : memref<128xi32, #tpu.memory_space<hbm>>) target(%arg8 : memref<128xi32, #tpu.memory_space<vmem>>) target_semaphore(%arg14 : memref<!tpu.dma_semaphore, #tpu.memory_space<semaphore_mem>>)
          %dma_wait3A_110 = arith.constant 0 : i32
          %dma_wait3A_111 = tpu.memref_slice %arg3[%dma_wait3A_110] : memref<323584xi32, #tpu.memory_space<hbm>> -> memref<128xi32, #tpu.memory_space<hbm>>
          %dma_wait3A_112 = arith.constant 0 : i32
          %dma_wait3A_113 = tpu.memref_slice %arg3[%dma_wait3A_112] : memref<323584xi32, #tpu.memory_space<hbm>> -> memref<128xi32, #tpu.memory_space<hbm>>
          tpu.wait_dma2 semaphore(%arg13 : memref<!tpu.dma_semaphore, #tpu.memory_space<semaphore_mem>>) src(%dma_wait3A_113 : memref<128xi32, #tpu.memory_space<hbm>>) dst(%arg6 : memref<128xi32, #tpu.memory_space<vmem>>)
          %dma_start3A_114 = arith.constant 0 : i32
          %dma_start3A_115 = arith.constant 0 : i32
          %dma_start3A_116 = tpu.memref_slice %arg2[%dma_start3A_114, %dma_start3A_115] : memref<10112x128xf32, #tpu.memory_space<hbm>> -> memref<10112x128xf32, #tpu.memory_space<hbm>>
          tpu.enqueue_indirect_dma source(%dma_start3A_116 : memref<10112x128xf32, #tpu.memory_space<hbm>>) target(%arg10 : memref<128x128xf32, #tpu.memory_space<vmem>>) offsets(%arg6 : memref<128xi32, #tpu.memory_space<vmem>>) semaphore(%arg15 : memref<!tpu.dma_semaphore, #tpu.memory_space<semaphore_mem>>)
        } else {
        }
      }
      %scan3A_29 = arith.constant 79 : i32
      %dma_wait3A_30 = arith.constant 0 : i32
      %dma_wait3A_31 = arith.constant 0 : i32
      %dma_wait3A_32 = tpu.memref_slice %arg12[%dma_wait3A_30, %dma_wait3A_31] : memref<10112x128xf32, #tpu.memory_space<vmem_shared>> -> memref<10112x128xf32, #tpu.memory_space<vmem_shared>>
      tpu.wait_indirect_dma semaphore(%arg16 : memref<!tpu.dma_semaphore, #tpu.memory_space<semaphore_mem>>) src(%arg10 : memref<128x128xf32, #tpu.memory_space<vmem>>) dst(%dma_wait3A_32 : memref<10112x128xf32, #tpu.memory_space<vmem_shared>>)
      %barrier3A_33 = arith.constant 0 : index
      tpu.barrier barrier_id(%barrier3A_33)
      %mul3A_34 = arith.constant 632 : i32
      %mul3A_35 = arith.muli %arg1, %mul3A_34 : i32
      %mul3A_36 = arith.constant 632 : i32
      %mul3A_37 = arith.muli %arg1, %mul3A_36 : i32
      "tpu.region"() ({
        %run_scoped3A = tpu.sem_alloc : memref<!tpu.dma_semaphore, #tpu.memory_space<semaphore_mem>>
        %dma_start3A_38 = arith.constant 0 : i32
        %dma_start3A_39 = tpu.memref_slice %arg5[%mul3A_37, %dma_start3A_38] : memref<10112x128xf32, #tpu.memory_space<hbm>> -> memref<632x128xf32, #tpu.memory_space<hbm>>
        %dma_start3A_40 = arith.constant 0 : i32
        %dma_start3A_41 = tpu.memref_slice %arg12[%mul3A_35, %dma_start3A_40] : memref<10112x128xf32, #tpu.memory_space<vmem_shared>> -> memref<632x128xf32, #tpu.memory_space<vmem_shared>>
        tpu.enqueue_dma source(%dma_start3A_41 : memref<632x128xf32, #tpu.memory_space<vmem_shared>>) target(%dma_start3A_39 : memref<632x128xf32, #tpu.memory_space<hbm>>) target_semaphore(%run_scoped3A : memref<!tpu.dma_semaphore, #tpu.memory_space<semaphore_mem>>)
        %dma_wait3A_42 = arith.constant 0 : i32
        %dma_wait3A_43 = tpu.memref_slice %arg5[%mul3A_37, %dma_wait3A_42] : memref<10112x128xf32, #tpu.memory_space<hbm>> -> memref<632x128xf32, #tpu.memory_space<hbm>>
        %dma_wait3A_44 = arith.constant 0 : i32
        %dma_wait3A_45 = tpu.memref_slice %arg12[%mul3A_35, %dma_wait3A_44] : memref<10112x128xf32, #tpu.memory_space<vmem_shared>> -> memref<632x128xf32, #tpu.memory_space<vmem_shared>>
        tpu.wait_dma2 semaphore(%run_scoped3A : memref<!tpu.dma_semaphore, #tpu.memory_space<semaphore_mem>>) src(%dma_wait3A_45 : memref<632x128xf32, #tpu.memory_space<vmem_shared>>) dst(%dma_wait3A_43 : memref<632x128xf32, #tpu.memory_space<hbm>>)
        tpu.yield
      }) : () -> ()
    } else {
    }
    return
  }
}

#map = affine_map<(d0, d1) -> (0, 0)>
#map1 = affine_map<(d0, d1) -> (0)>
#map2 = affine_map<(d0, d1) -> (0, 0, 0)>
module attributes {stable_mosaic.version = 14 : i64} {
  func.func @pass_a(%arg0: i32, %arg1: i32, %arg2: memref<10000x128xf32, #tpu.memory_space<hbm>>, %arg3: memref<10112xi32, #tpu.memory_space<hbm>>, %arg4: memref<323584xi32, #tpu.memory_space<hbm>>, %arg5: memref<128x128xf32, #tpu.memory_space<hbm>>, %arg6: memref<632x128xf32, #tpu.memory_space<hbm>>, %arg7: memref<10112x128xf32, #tpu.memory_space<hbm>>, %arg8: memref<2x10112x128xf32, #tpu.memory_space<hbm>>, %arg9: memref<128xi32, #tpu.memory_space<vmem>>, %arg10: memref<128x128xf32, #tpu.memory_space<vmem>>, %arg11: memref<128x128xf32, #tpu.memory_space<vmem>>, %arg12: memref<10112x128xf32, #tpu.memory_space<vmem_shared>>, %arg13: memref<!tpu.dma_semaphore, #tpu.memory_space<semaphore_mem>>) attributes {dimension_semantics = [#tpu.dimension_semantics<core_parallel>, #tpu.dimension_semantics<subcore_parallel>], iteration_bounds = array<i64: 2, 16>, scalar_prefetch = 0 : i64, scratch_operands = 5 : i64, tpu.core_type = #tpu.core_type<sc_vector_subcore>, window_params = [{transform_indices = #map}, {transform_indices = #map1}, {transform_indices = #map1}, {transform_indices = #map}, {transform_indices = #map}, {transform_indices = #map}, {transform_indices = #map2}]} {
    %mul3A = arith.constant 16 : i32
    %mul3A_0 = arith.muli %arg0, %mul3A : i32
    %add3A = arith.addi %mul3A_0, %arg1 : i32
    %mul3A_1 = arith.constant 632 : i32
    %mul3A_2 = arith.muli %arg1, %mul3A_1 : i32
    "tpu.region"() ({
      %run_scoped3A = tpu.sem_alloc : memref<!tpu.dma_semaphore, #tpu.memory_space<semaphore_mem>>
      %dma_start3A = arith.constant 0 : i32
      %dma_start3A_19 = tpu.memref_slice %arg12[%mul3A_2, %dma_start3A] : memref<10112x128xf32, #tpu.memory_space<vmem_shared>> -> memref<632x128xf32, #tpu.memory_space<vmem_shared>>
      tpu.enqueue_dma source(%arg6 : memref<632x128xf32, #tpu.memory_space<hbm>>) target(%dma_start3A_19 : memref<632x128xf32, #tpu.memory_space<vmem_shared>>) target_semaphore(%run_scoped3A : memref<!tpu.dma_semaphore, #tpu.memory_space<semaphore_mem>>)
      %dma_wait3A = arith.constant 0 : i32
      %dma_wait3A_20 = tpu.memref_slice %arg12[%mul3A_2, %dma_wait3A] : memref<10112x128xf32, #tpu.memory_space<vmem_shared>> -> memref<632x128xf32, #tpu.memory_space<vmem_shared>>
      tpu.wait_dma2 semaphore(%run_scoped3A : memref<!tpu.dma_semaphore, #tpu.memory_space<semaphore_mem>>) src(%arg6 : memref<632x128xf32, #tpu.memory_space<hbm>>) dst(%dma_wait3A_20 : memref<632x128xf32, #tpu.memory_space<vmem_shared>>)
      tpu.yield
    }) : () -> ()
    "tpu.region"() ({
      %run_scoped3A = tpu.sem_alloc : memref<!tpu.dma_semaphore, #tpu.memory_space<semaphore_mem>>
      tpu.enqueue_dma source(%arg5 : memref<128x128xf32, #tpu.memory_space<hbm>>) target(%arg11 : memref<128x128xf32, #tpu.memory_space<vmem>>) target_semaphore(%run_scoped3A : memref<!tpu.dma_semaphore, #tpu.memory_space<semaphore_mem>>)
      tpu.wait_dma2 semaphore(%run_scoped3A : memref<!tpu.dma_semaphore, #tpu.memory_space<semaphore_mem>>) src(%arg5 : memref<128x128xf32, #tpu.memory_space<hbm>>) dst(%arg11 : memref<128x128xf32, #tpu.memory_space<vmem>>)
      tpu.yield
    }) : () -> ()
    %barrier3A = arith.constant 0 : index
    tpu.barrier barrier_id(%barrier3A)
    %scan3A = arith.constant 0 : i32
    %scan3A_3 = arith.constant 0 : i32
    %scan3A_4 = arith.constant 3 : i32
    %scan3A_5 = arith.addi %scan3A_3, %scan3A_4 : i32
    %scan3A_6 = arith.constant 1 : i32
    scf.for %scan3A_19 = %scan3A_3 to %scan3A_5 step %scan3A_6  : i32 {
      %mul3A_20 = arith.constant 32 : i32
      %mul3A_21 = arith.muli %mul3A_20, %scan3A_19 : i32
      %add3A_22 = arith.addi %add3A, %mul3A_21 : i32
      %lt3A = arith.constant 79 : i32
      %lt3A_23 = arith.cmpi slt, %add3A_22, %lt3A : i32
      %convert_element_type3A = arith.extui %lt3A_23 : i1 to i32
      %cond3A = arith.constant 0 : i32
      %cond3A_24 = arith.cmpi ne, %convert_element_type3A, %cond3A : i32
      scf.if %cond3A_24 {
        %mul3A_25 = arith.constant 128 : i32
        %mul3A_26 = arith.muli %add3A_22, %mul3A_25 : i32
        "tpu.region"() ({
          %run_scoped3A = tpu.sem_alloc : memref<!tpu.dma_semaphore, #tpu.memory_space<semaphore_mem>>
          %dma_start3A_33 = tpu.memref_slice %arg3[%mul3A_26] : memref<10112xi32, #tpu.memory_space<hbm>> -> memref<128xi32, #tpu.memory_space<hbm>>
          %dma_start3A_34 = tpu.memref_slice %arg3[%mul3A_26] : memref<10112xi32, #tpu.memory_space<hbm>> -> memref<128xi32, #tpu.memory_space<hbm>>
          tpu.enqueue_dma source(%dma_start3A_34 : memref<128xi32, #tpu.memory_space<hbm>>) target(%arg9 : memref<128xi32, #tpu.memory_space<vmem>>) target_semaphore(%run_scoped3A : memref<!tpu.dma_semaphore, #tpu.memory_space<semaphore_mem>>)
          %dma_wait3A_35 = tpu.memref_slice %arg3[%mul3A_26] : memref<10112xi32, #tpu.memory_space<hbm>> -> memref<128xi32, #tpu.memory_space<hbm>>
          %dma_wait3A_36 = tpu.memref_slice %arg3[%mul3A_26] : memref<10112xi32, #tpu.memory_space<hbm>> -> memref<128xi32, #tpu.memory_space<hbm>>
          tpu.wait_dma2 semaphore(%run_scoped3A : memref<!tpu.dma_semaphore, #tpu.memory_space<semaphore_mem>>) src(%dma_wait3A_36 : memref<128xi32, #tpu.memory_space<hbm>>) dst(%arg9 : memref<128xi32, #tpu.memory_space<vmem>>)
          tpu.yield
        }) : () -> ()
        %dma_start3A = arith.constant 0 : i32
        %dma_start3A_27 = arith.constant 0 : i32
        %dma_start3A_28 = tpu.memref_slice %arg2[%dma_start3A, %dma_start3A_27] : memref<10000x128xf32, #tpu.memory_space<hbm>> -> memref<10000x128xf32, #tpu.memory_space<hbm>>
        tpu.enqueue_indirect_dma source(%dma_start3A_28 : memref<10000x128xf32, #tpu.memory_space<hbm>>) target(%arg10 : memref<128x128xf32, #tpu.memory_space<vmem>>) offsets(%arg9 : memref<128xi32, #tpu.memory_space<vmem>>) semaphore(%arg13 : memref<!tpu.dma_semaphore, #tpu.memory_space<semaphore_mem>>)
        %dma_wait3A = arith.constant 0 : i32
        %dma_wait3A_29 = arith.constant 0 : i32
        %dma_wait3A_30 = tpu.memref_slice %arg2[%dma_wait3A, %dma_wait3A_29] : memref<10000x128xf32, #tpu.memory_space<hbm>> -> memref<10000x128xf32, #tpu.memory_space<hbm>>
        tpu.wait_indirect_dma semaphore(%arg13 : memref<!tpu.dma_semaphore, #tpu.memory_space<semaphore_mem>>) src(%dma_wait3A_30 : memref<10000x128xf32, #tpu.memory_space<hbm>>) dst(%arg10 : memref<128x128xf32, #tpu.memory_space<vmem>>)
        %mul3A_31 = arith.constant 128 : i32
        %mul3A_32 = arith.muli %add3A_22, %mul3A_31 : i32
        "tpu.region"() ({
          %run_scoped3A = tpu.sem_alloc : memref<!tpu.dma_semaphore, #tpu.memory_space<semaphore_mem>>
          %dma_start3A_33 = arith.constant 0 : i32
          %dma_start3A_34 = tpu.memref_slice %arg7[%mul3A_32, %dma_start3A_33] : memref<10112x128xf32, #tpu.memory_space<hbm>> -> memref<128x128xf32, #tpu.memory_space<hbm>>
          %dma_start3A_35 = arith.constant 0 : i32
          %dma_start3A_36 = tpu.memref_slice %arg7[%mul3A_32, %dma_start3A_35] : memref<10112x128xf32, #tpu.memory_space<hbm>> -> memref<128x128xf32, #tpu.memory_space<hbm>>
          tpu.enqueue_dma source(%arg10 : memref<128x128xf32, #tpu.memory_space<vmem>>) target(%dma_start3A_36 : memref<128x128xf32, #tpu.memory_space<hbm>>) target_semaphore(%run_scoped3A : memref<!tpu.dma_semaphore, #tpu.memory_space<semaphore_mem>>)
          %dma_wait3A_37 = arith.constant 0 : i32
          %dma_wait3A_38 = tpu.memref_slice %arg7[%mul3A_32, %dma_wait3A_37] : memref<10112x128xf32, #tpu.memory_space<hbm>> -> memref<128x128xf32, #tpu.memory_space<hbm>>
          %dma_wait3A_39 = arith.constant 0 : i32
          %dma_wait3A_40 = tpu.memref_slice %arg7[%mul3A_32, %dma_wait3A_39] : memref<10112x128xf32, #tpu.memory_space<hbm>> -> memref<128x128xf32, #tpu.memory_space<hbm>>
          tpu.wait_dma2 semaphore(%run_scoped3A : memref<!tpu.dma_semaphore, #tpu.memory_space<semaphore_mem>>) src(%arg10 : memref<128x128xf32, #tpu.memory_space<vmem>>) dst(%dma_wait3A_40 : memref<128x128xf32, #tpu.memory_space<hbm>>)
          tpu.yield
        }) : () -> ()
      } else {
      }
    }
    %scan3A_7 = arith.constant 3 : i32
    %scan3A_8 = arith.constant 0 : i32
    %scan3A_9 = arith.constant 0 : i32
    %scan3A_10 = arith.constant 79 : i32
    %scan3A_11 = arith.addi %scan3A_9, %scan3A_10 : i32
    %scan3A_12 = arith.constant 1 : i32
    scf.for %scan3A_19 = %scan3A_9 to %scan3A_11 step %scan3A_12  : i32 {
      %mul3A_20 = arith.constant 10112 : i32
      %mul3A_21 = arith.muli %add3A, %mul3A_20 : i32
      %mul3A_22 = arith.constant 128 : i32
      %mul3A_23 = arith.muli %scan3A_19, %mul3A_22 : i32
      %add3A_24 = arith.addi %mul3A_21, %mul3A_23 : i32
      "tpu.region"() ({
        %run_scoped3A = tpu.sem_alloc : memref<!tpu.dma_semaphore, #tpu.memory_space<semaphore_mem>>
        %dma_start3A = tpu.memref_slice %arg4[%add3A_24] : memref<323584xi32, #tpu.memory_space<hbm>> -> memref<128xi32, #tpu.memory_space<hbm>>
        %dma_start3A_25 = tpu.memref_slice %arg4[%add3A_24] : memref<323584xi32, #tpu.memory_space<hbm>> -> memref<128xi32, #tpu.memory_space<hbm>>
        tpu.enqueue_dma source(%dma_start3A_25 : memref<128xi32, #tpu.memory_space<hbm>>) target(%arg9 : memref<128xi32, #tpu.memory_space<vmem>>) target_semaphore(%run_scoped3A : memref<!tpu.dma_semaphore, #tpu.memory_space<semaphore_mem>>)
        %dma_wait3A = tpu.memref_slice %arg4[%add3A_24] : memref<323584xi32, #tpu.memory_space<hbm>> -> memref<128xi32, #tpu.memory_space<hbm>>
        %dma_wait3A_26 = tpu.memref_slice %arg4[%add3A_24] : memref<323584xi32, #tpu.memory_space<hbm>> -> memref<128xi32, #tpu.memory_space<hbm>>
        tpu.wait_dma2 semaphore(%run_scoped3A : memref<!tpu.dma_semaphore, #tpu.memory_space<semaphore_mem>>) src(%dma_wait3A_26 : memref<128xi32, #tpu.memory_space<hbm>>) dst(%arg9 : memref<128xi32, #tpu.memory_space<vmem>>)
        tpu.yield
      }) : () -> ()
      "tpu.region"() ({
        %run_scoped3A = tpu.sem_alloc : memref<!tpu.dma_semaphore, #tpu.memory_space<semaphore_mem>>
        %dma_start3A = arith.constant 0 : i32
        %dma_start3A_25 = arith.constant 0 : i32
        %dma_start3A_26 = tpu.memref_slice %arg12[%dma_start3A, %dma_start3A_25] : memref<10112x128xf32, #tpu.memory_space<vmem_shared>> -> memref<10112x128xf32, #tpu.memory_space<vmem_shared>>
        tpu.enqueue_indirect_dma source(%arg11 : memref<128x128xf32, #tpu.memory_space<vmem>>) target(%dma_start3A_26 : memref<10112x128xf32, #tpu.memory_space<vmem_shared>>) offsets(%arg9 : memref<128xi32, #tpu.memory_space<vmem>>) semaphore(%run_scoped3A : memref<!tpu.dma_semaphore, #tpu.memory_space<semaphore_mem>>) {add = true}
        %dma_wait3A = arith.constant 0 : i32
        %dma_wait3A_27 = arith.constant 0 : i32
        %dma_wait3A_28 = tpu.memref_slice %arg12[%dma_wait3A, %dma_wait3A_27] : memref<10112x128xf32, #tpu.memory_space<vmem_shared>> -> memref<10112x128xf32, #tpu.memory_space<vmem_shared>>
        tpu.wait_indirect_dma semaphore(%run_scoped3A : memref<!tpu.dma_semaphore, #tpu.memory_space<semaphore_mem>>) src(%arg11 : memref<128x128xf32, #tpu.memory_space<vmem>>) dst(%dma_wait3A_28 : memref<10112x128xf32, #tpu.memory_space<vmem_shared>>)
        tpu.yield
      }) : () -> ()
    }
    %scan3A_13 = arith.constant 79 : i32
    %barrier3A_14 = arith.constant 0 : index
    tpu.barrier barrier_id(%barrier3A_14)
    %mul3A_15 = arith.constant 632 : i32
    %mul3A_16 = arith.muli %arg1, %mul3A_15 : i32
    %mul3A_17 = arith.constant 632 : i32
    %mul3A_18 = arith.muli %arg1, %mul3A_17 : i32
    "tpu.region"() ({
      %run_scoped3A = tpu.sem_alloc : memref<!tpu.dma_semaphore, #tpu.memory_space<semaphore_mem>>
      %dma_start3A = arith.constant 0 : i32
      %dma_start3A_19 = tpu.memref_slice %arg8[%arg0, %mul3A_18, %dma_start3A] : memref<2x10112x128xf32, #tpu.memory_space<hbm>> -> memref<1x632x128xf32, #tpu.memory_space<hbm>>
      %dma_start3A_20 = tpu.memref_squeeze %dma_start3A_19 : memref<1x632x128xf32, #tpu.memory_space<hbm>> -> memref<632x128xf32, #tpu.memory_space<hbm>>
      %dma_start3A_21 = arith.constant 0 : i32
      %dma_start3A_22 = tpu.memref_slice %arg12[%mul3A_16, %dma_start3A_21] : memref<10112x128xf32, #tpu.memory_space<vmem_shared>> -> memref<632x128xf32, #tpu.memory_space<vmem_shared>>
      tpu.enqueue_dma source(%dma_start3A_22 : memref<632x128xf32, #tpu.memory_space<vmem_shared>>) target(%dma_start3A_20 : memref<632x128xf32, #tpu.memory_space<hbm>>) target_semaphore(%run_scoped3A : memref<!tpu.dma_semaphore, #tpu.memory_space<semaphore_mem>>)
      %dma_wait3A = arith.constant 0 : i32
      %dma_wait3A_23 = tpu.memref_slice %arg8[%arg0, %mul3A_18, %dma_wait3A] : memref<2x10112x128xf32, #tpu.memory_space<hbm>> -> memref<1x632x128xf32, #tpu.memory_space<hbm>>
      %dma_wait3A_24 = tpu.memref_squeeze %dma_wait3A_23 : memref<1x632x128xf32, #tpu.memory_space<hbm>> -> memref<632x128xf32, #tpu.memory_space<hbm>>
      %dma_wait3A_25 = arith.constant 0 : i32
      %dma_wait3A_26 = tpu.memref_slice %arg12[%mul3A_16, %dma_wait3A_25] : memref<10112x128xf32, #tpu.memory_space<vmem_shared>> -> memref<632x128xf32, #tpu.memory_space<vmem_shared>>
      tpu.wait_dma2 semaphore(%run_scoped3A : memref<!tpu.dma_semaphore, #tpu.memory_space<semaphore_mem>>) src(%dma_wait3A_26 : memref<632x128xf32, #tpu.memory_space<vmem_shared>>) dst(%dma_wait3A_24 : memref<632x128xf32, #tpu.memory_space<hbm>>)
      tpu.yield
    }) : () -> ()
    return
  }
}

#map = affine_map<(d0, d1) -> (0, 0)>
#map1 = affine_map<(d0, d1) -> (0)>
module attributes {stable_mosaic.version = 14 : i64} {
  func.func @prop(%arg0: i32, %arg1: i32, %arg2: memref<10112x128xf32, #tpu.memory_space<hbm>>, %arg3: memref<323584xi32, #tpu.memory_space<hbm>>, %arg4: memref<323584xi32, #tpu.memory_space<hbm>>, %arg5: memref<10112x128xf32, #tpu.memory_space<hbm>>, %arg6: memref<128xi32, #tpu.memory_space<vmem>>, %arg7: memref<128xi32, #tpu.memory_space<vmem>>, %arg8: memref<128xi32, #tpu.memory_space<vmem>>, %arg9: memref<128xi32, #tpu.memory_space<vmem>>, %arg10: memref<128x128xf32, #tpu.memory_space<vmem>>, %arg11: memref<128x128xf32, #tpu.memory_space<vmem>>, %arg12: memref<10112x128xf32, #tpu.memory_space<vmem_shared>>, %arg13: memref<!tpu.dma_semaphore, #tpu.memory_space<semaphore_mem>>, %arg14: memref<!tpu.dma_semaphore, #tpu.memory_space<semaphore_mem>>, %arg15: memref<!tpu.dma_semaphore, #tpu.memory_space<semaphore_mem>>, %arg16: memref<!tpu.dma_semaphore, #tpu.memory_space<semaphore_mem>>) attributes {dimension_semantics = [#tpu.dimension_semantics<core_parallel>, #tpu.dimension_semantics<subcore_parallel>], iteration_bounds = array<i64: 2, 16>, scalar_prefetch = 0 : i64, scratch_operands = 11 : i64, tpu.core_type = #tpu.core_type<sc_vector_subcore>, window_params = [{transform_indices = #map}, {transform_indices = #map1}, {transform_indices = #map1}, {transform_indices = #map}]} {
    %eq3A = arith.constant 0 : i32
    %eq3A_0 = arith.cmpi eq, %arg0, %eq3A : i32
    %convert_element_type3A = arith.extui %eq3A_0 : i1 to i32
    %cond3A = arith.constant 0 : i32
    %cond3A_1 = arith.cmpi ne, %convert_element_type3A, %cond3A : i32
    scf.if %cond3A_1 {
      %mul3A = arith.constant 158 : i32
      %mul3A_2 = arith.muli %arg1, %mul3A : i32
      %mul3A_3 = arith.constant 128 : i32
      %mul3A_4 = arith.muli %mul3A_2, %mul3A_3 : i32
      %mul3A_5 = arith.constant 632 : i32
      %mul3A_6 = arith.muli %arg1, %mul3A_5 : i32
      %mul3A_7 = arith.constant 632 : i32
      %mul3A_8 = arith.muli %arg1, %mul3A_7 : i32
      "tpu.region"() ({
        %run_scoped3A = tpu.sem_alloc : memref<!tpu.dma_semaphore, #tpu.memory_space<semaphore_mem>>
        %dma_start3A_38 = arith.constant 0 : i32
        %dma_start3A_39 = tpu.memref_slice %arg12[%mul3A_8, %dma_start3A_38] : memref<10112x128xf32, #tpu.memory_space<vmem_shared>> -> memref<632x128xf32, #tpu.memory_space<vmem_shared>>
        %dma_start3A_40 = arith.constant 0 : i32
        %dma_start3A_41 = tpu.memref_slice %arg2[%mul3A_6, %dma_start3A_40] : memref<10112x128xf32, #tpu.memory_space<hbm>> -> memref<632x128xf32, #tpu.memory_space<hbm>>
        tpu.enqueue_dma source(%dma_start3A_41 : memref<632x128xf32, #tpu.memory_space<hbm>>) target(%dma_start3A_39 : memref<632x128xf32, #tpu.memory_space<vmem_shared>>) target_semaphore(%run_scoped3A : memref<!tpu.dma_semaphore, #tpu.memory_space<semaphore_mem>>)
        %dma_wait3A_42 = arith.constant 0 : i32
        %dma_wait3A_43 = tpu.memref_slice %arg12[%mul3A_8, %dma_wait3A_42] : memref<10112x128xf32, #tpu.memory_space<vmem_shared>> -> memref<632x128xf32, #tpu.memory_space<vmem_shared>>
        %dma_wait3A_44 = arith.constant 0 : i32
        %dma_wait3A_45 = tpu.memref_slice %arg2[%mul3A_6, %dma_wait3A_44] : memref<10112x128xf32, #tpu.memory_space<hbm>> -> memref<632x128xf32, #tpu.memory_space<hbm>>
        tpu.wait_dma2 semaphore(%run_scoped3A : memref<!tpu.dma_semaphore, #tpu.memory_space<semaphore_mem>>) src(%dma_wait3A_45 : memref<632x128xf32, #tpu.memory_space<hbm>>) dst(%dma_wait3A_43 : memref<632x128xf32, #tpu.memory_space<vmem_shared>>)
        tpu.yield
      }) : () -> ()
      %barrier3A = arith.constant 0 : index
      tpu.barrier barrier_id(%barrier3A)
      %add3A = arith.constant 0 : i32
      %add3A_9 = arith.addi %mul3A_4, %add3A : i32
      %dma_start3A = tpu.memref_slice %arg3[%add3A_9] : memref<323584xi32, #tpu.memory_space<hbm>> -> memref<128xi32, #tpu.memory_space<hbm>>
      %dma_start3A_10 = tpu.memref_slice %arg3[%add3A_9] : memref<323584xi32, #tpu.memory_space<hbm>> -> memref<128xi32, #tpu.memory_space<hbm>>
      tpu.enqueue_dma source(%dma_start3A_10 : memref<128xi32, #tpu.memory_space<hbm>>) target(%arg6 : memref<128xi32, #tpu.memory_space<vmem>>) target_semaphore(%arg13 : memref<!tpu.dma_semaphore, #tpu.memory_space<semaphore_mem>>)
      %add3A_11 = arith.constant 128 : i32
      %add3A_12 = arith.addi %mul3A_4, %add3A_11 : i32
      %dma_start3A_13 = tpu.memref_slice %arg3[%add3A_12] : memref<323584xi32, #tpu.memory_space<hbm>> -> memref<128xi32, #tpu.memory_space<hbm>>
      %dma_start3A_14 = tpu.memref_slice %arg3[%add3A_12] : memref<323584xi32, #tpu.memory_space<hbm>> -> memref<128xi32, #tpu.memory_space<hbm>>
      tpu.enqueue_dma source(%dma_start3A_14 : memref<128xi32, #tpu.memory_space<hbm>>) target(%arg7 : memref<128xi32, #tpu.memory_space<vmem>>) target_semaphore(%arg13 : memref<!tpu.dma_semaphore, #tpu.memory_space<semaphore_mem>>)
      %add3A_15 = arith.constant 0 : i32
      %add3A_16 = arith.addi %mul3A_4, %add3A_15 : i32
      %dma_start3A_17 = tpu.memref_slice %arg4[%add3A_16] : memref<323584xi32, #tpu.memory_space<hbm>> -> memref<128xi32, #tpu.memory_space<hbm>>
      %dma_start3A_18 = tpu.memref_slice %arg4[%add3A_16] : memref<323584xi32, #tpu.memory_space<hbm>> -> memref<128xi32, #tpu.memory_space<hbm>>
      tpu.enqueue_dma source(%dma_start3A_18 : memref<128xi32, #tpu.memory_space<hbm>>) target(%arg8 : memref<128xi32, #tpu.memory_space<vmem>>) target_semaphore(%arg14 : memref<!tpu.dma_semaphore, #tpu.memory_space<semaphore_mem>>)
      %dma_wait3A = arith.constant 0 : i32
      %dma_wait3A_19 = tpu.memref_slice %arg3[%dma_wait3A] : memref<323584xi32, #tpu.memory_space<hbm>> -> memref<128xi32, #tpu.memory_space<hbm>>
      %dma_wait3A_20 = arith.constant 0 : i32
      %dma_wait3A_21 = tpu.memref_slice %arg3[%dma_wait3A_20] : memref<323584xi32, #tpu.memory_space<hbm>> -> memref<128xi32, #tpu.memory_space<hbm>>
      tpu.wait_dma2 semaphore(%arg13 : memref<!tpu.dma_semaphore, #tpu.memory_space<semaphore_mem>>) src(%dma_wait3A_21 : memref<128xi32, #tpu.memory_space<hbm>>) dst(%arg6 : memref<128xi32, #tpu.memory_space<vmem>>)
      %dma_start3A_22 = arith.constant 0 : i32
      %dma_start3A_23 = arith.constant 0 : i32
      %dma_start3A_24 = tpu.memref_slice %arg2[%dma_start3A_22, %dma_start3A_23] : memref<10112x128xf32, #tpu.memory_space<hbm>> -> memref<10112x128xf32, #tpu.memory_space<hbm>>
      tpu.enqueue_indirect_dma source(%dma_start3A_24 : memref<10112x128xf32, #tpu.memory_space<hbm>>) target(%arg10 : memref<128x128xf32, #tpu.memory_space<vmem>>) offsets(%arg6 : memref<128xi32, #tpu.memory_space<vmem>>) semaphore(%arg15 : memref<!tpu.dma_semaphore, #tpu.memory_space<semaphore_mem>>)
      %scan3A = arith.constant 0 : i32
      %scan3A_25 = arith.constant 0 : i32
      %scan3A_26 = arith.constant 79 : i32
      %scan3A_27 = arith.addi %scan3A_25, %scan3A_26 : i32
      %scan3A_28 = arith.constant 1 : i32
      scf.for %scan3A_38 = %scan3A_25 to %scan3A_27 step %scan3A_28  : i32 {
        %mul3A_39 = arith.constant 2 : i32
        %mul3A_40 = arith.muli %mul3A_39, %scan3A_38 : i32
        %add3A_41 = arith.constant 0 : i32
        %add3A_42 = arith.addi %mul3A_40, %add3A_41 : i32
        %dma_wait3A_43 = arith.constant 0 : i32
        %dma_wait3A_44 = arith.constant 0 : i32
        %dma_wait3A_45 = tpu.memref_slice %arg2[%dma_wait3A_43, %dma_wait3A_44] : memref<10112x128xf32, #tpu.memory_space<hbm>> -> memref<10112x128xf32, #tpu.memory_space<hbm>>
        tpu.wait_indirect_dma semaphore(%arg15 : memref<!tpu.dma_semaphore, #tpu.memory_space<semaphore_mem>>) src(%dma_wait3A_45 : memref<10112x128xf32, #tpu.memory_space<hbm>>) dst(%arg10 : memref<128x128xf32, #tpu.memory_space<vmem>>)
        %dma_wait3A_46 = arith.constant 0 : i32
        %dma_wait3A_47 = tpu.memref_slice %arg4[%dma_wait3A_46] : memref<323584xi32, #tpu.memory_space<hbm>> -> memref<128xi32, #tpu.memory_space<hbm>>
        %dma_wait3A_48 = arith.constant 0 : i32
        %dma_wait3A_49 = tpu.memref_slice %arg4[%dma_wait3A_48] : memref<323584xi32, #tpu.memory_space<hbm>> -> memref<128xi32, #tpu.memory_space<hbm>>
        tpu.wait_dma2 semaphore(%arg14 : memref<!tpu.dma_semaphore, #tpu.memory_space<semaphore_mem>>) src(%dma_wait3A_49 : memref<128xi32, #tpu.memory_space<hbm>>) dst(%arg8 : memref<128xi32, #tpu.memory_space<vmem>>)
        %dma_start3A_50 = arith.constant 0 : i32
        %dma_start3A_51 = arith.constant 0 : i32
        %dma_start3A_52 = tpu.memref_slice %arg12[%dma_start3A_50, %dma_start3A_51] : memref<10112x128xf32, #tpu.memory_space<vmem_shared>> -> memref<10112x128xf32, #tpu.memory_space<vmem_shared>>
        tpu.enqueue_indirect_dma source(%arg10 : memref<128x128xf32, #tpu.memory_space<vmem>>) target(%dma_start3A_52 : memref<10112x128xf32, #tpu.memory_space<vmem_shared>>) offsets(%arg8 : memref<128xi32, #tpu.memory_space<vmem>>) semaphore(%arg16 : memref<!tpu.dma_semaphore, #tpu.memory_space<semaphore_mem>>) {add = true}
        %add3A_53 = arith.constant 2 : i32
        %add3A_54 = arith.addi %add3A_42, %add3A_53 : i32
        %lt3A = arith.constant 158 : i32
        %lt3A_55 = arith.cmpi slt, %add3A_54, %lt3A : i32
        %convert_element_type3A_56 = arith.extui %lt3A_55 : i1 to i32
        %cond3A_57 = arith.constant 0 : i32
        %cond3A_58 = arith.cmpi ne, %convert_element_type3A_56, %cond3A_57 : i32
        scf.if %cond3A_58 {
          %add3A_103 = arith.constant 2 : i32
          %add3A_104 = arith.addi %add3A_42, %add3A_103 : i32
          %mul3A_105 = arith.constant 128 : i32
          %mul3A_106 = arith.muli %add3A_104, %mul3A_105 : i32
          %add3A_107 = arith.addi %mul3A_4, %mul3A_106 : i32
          %dma_start3A_108 = tpu.memref_slice %arg3[%add3A_107] : memref<323584xi32, #tpu.memory_space<hbm>> -> memref<128xi32, #tpu.memory_space<hbm>>
          %dma_start3A_109 = tpu.memref_slice %arg3[%add3A_107] : memref<323584xi32, #tpu.memory_space<hbm>> -> memref<128xi32, #tpu.memory_space<hbm>>
          tpu.enqueue_dma source(%dma_start3A_109 : memref<128xi32, #tpu.memory_space<hbm>>) target(%arg6 : memref<128xi32, #tpu.memory_space<vmem>>) target_semaphore(%arg13 : memref<!tpu.dma_semaphore, #tpu.memory_space<semaphore_mem>>)
        } else {
        }
        %ge3A = arith.constant 1 : i32
        %ge3A_59 = arith.cmpi sge, %add3A_42, %ge3A : i32
        %convert_element_type3A_60 = arith.extui %ge3A_59 : i1 to i32
        %cond3A_61 = arith.constant 0 : i32
        %cond3A_62 = arith.cmpi ne, %convert_element_type3A_60, %cond3A_61 : i32
        scf.if %cond3A_62 {
          %dma_wait3A_103 = arith.constant 0 : i32
          %dma_wait3A_104 = arith.constant 0 : i32
          %dma_wait3A_105 = tpu.memref_slice %arg12[%dma_wait3A_103, %dma_wait3A_104] : memref<10112x128xf32, #tpu.memory_space<vmem_shared>> -> memref<10112x128xf32, #tpu.memory_space<vmem_shared>>
          tpu.wait_indirect_dma semaphore(%arg16 : memref<!tpu.dma_semaphore, #tpu.memory_space<semaphore_mem>>) src(%arg10 : memref<128x128xf32, #tpu.memory_space<vmem>>) dst(%dma_wait3A_105 : memref<10112x128xf32, #tpu.memory_space<vmem_shared>>)
        } else {
        }
        %add3A_63 = arith.constant 1 : i32
        %add3A_64 = arith.addi %add3A_42, %add3A_63 : i32
        %lt3A_65 = arith.constant 158 : i32
        %lt3A_66 = arith.cmpi slt, %add3A_64, %lt3A_65 : i32
        %convert_element_type3A_67 = arith.extui %lt3A_66 : i1 to i32
        %cond3A_68 = arith.constant 0 : i32
        %cond3A_69 = arith.cmpi ne, %convert_element_type3A_67, %cond3A_68 : i32
        scf.if %cond3A_69 {
          %add3A_103 = arith.constant 1 : i32
          %add3A_104 = arith.addi %add3A_42, %add3A_103 : i32
          %mul3A_105 = arith.constant 128 : i32
          %mul3A_106 = arith.muli %add3A_104, %mul3A_105 : i32
          %add3A_107 = arith.addi %mul3A_4, %mul3A_106 : i32
          %dma_start3A_108 = tpu.memref_slice %arg4[%add3A_107] : memref<323584xi32, #tpu.memory_space<hbm>> -> memref<128xi32, #tpu.memory_space<hbm>>
          %dma_start3A_109 = tpu.memref_slice %arg4[%add3A_107] : memref<323584xi32, #tpu.memory_space<hbm>> -> memref<128xi32, #tpu.memory_space<hbm>>
          tpu.enqueue_dma source(%dma_start3A_109 : memref<128xi32, #tpu.memory_space<hbm>>) target(%arg9 : memref<128xi32, #tpu.memory_space<vmem>>) target_semaphore(%arg14 : memref<!tpu.dma_semaphore, #tpu.memory_space<semaphore_mem>>)
          %dma_wait3A_110 = arith.constant 0 : i32
          %dma_wait3A_111 = tpu.memref_slice %arg3[%dma_wait3A_110] : memref<323584xi32, #tpu.memory_space<hbm>> -> memref<128xi32, #tpu.memory_space<hbm>>
          %dma_wait3A_112 = arith.constant 0 : i32
          %dma_wait3A_113 = tpu.memref_slice %arg3[%dma_wait3A_112] : memref<323584xi32, #tpu.memory_space<hbm>> -> memref<128xi32, #tpu.memory_space<hbm>>
          tpu.wait_dma2 semaphore(%arg13 : memref<!tpu.dma_semaphore, #tpu.memory_space<semaphore_mem>>) src(%dma_wait3A_113 : memref<128xi32, #tpu.memory_space<hbm>>) dst(%arg6 : memref<128xi32, #tpu.memory_space<vmem>>)
          %dma_start3A_114 = arith.constant 0 : i32
          %dma_start3A_115 = arith.constant 0 : i32
          %dma_start3A_116 = tpu.memref_slice %arg2[%dma_start3A_114, %dma_start3A_115] : memref<10112x128xf32, #tpu.memory_space<hbm>> -> memref<10112x128xf32, #tpu.memory_space<hbm>>
          tpu.enqueue_indirect_dma source(%dma_start3A_116 : memref<10112x128xf32, #tpu.memory_space<hbm>>) target(%arg11 : memref<128x128xf32, #tpu.memory_space<vmem>>) offsets(%arg7 : memref<128xi32, #tpu.memory_space<vmem>>) semaphore(%arg15 : memref<!tpu.dma_semaphore, #tpu.memory_space<semaphore_mem>>)
        } else {
        }
        %mul3A_70 = arith.constant 2 : i32
        %mul3A_71 = arith.muli %mul3A_70, %scan3A_38 : i32
        %add3A_72 = arith.constant 1 : i32
        %add3A_73 = arith.addi %mul3A_71, %add3A_72 : i32
        %dma_wait3A_74 = arith.constant 0 : i32
        %dma_wait3A_75 = arith.constant 0 : i32
        %dma_wait3A_76 = tpu.memref_slice %arg2[%dma_wait3A_74, %dma_wait3A_75] : memref<10112x128xf32, #tpu.memory_space<hbm>> -> memref<10112x128xf32, #tpu.memory_space<hbm>>
        tpu.wait_indirect_dma semaphore(%arg15 : memref<!tpu.dma_semaphore, #tpu.memory_space<semaphore_mem>>) src(%dma_wait3A_76 : memref<10112x128xf32, #tpu.memory_space<hbm>>) dst(%arg10 : memref<128x128xf32, #tpu.memory_space<vmem>>)
        %dma_wait3A_77 = arith.constant 0 : i32
        %dma_wait3A_78 = tpu.memref_slice %arg4[%dma_wait3A_77] : memref<323584xi32, #tpu.memory_space<hbm>> -> memref<128xi32, #tpu.memory_space<hbm>>
        %dma_wait3A_79 = arith.constant 0 : i32
        %dma_wait3A_80 = tpu.memref_slice %arg4[%dma_wait3A_79] : memref<323584xi32, #tpu.memory_space<hbm>> -> memref<128xi32, #tpu.memory_space<hbm>>
        tpu.wait_dma2 semaphore(%arg14 : memref<!tpu.dma_semaphore, #tpu.memory_space<semaphore_mem>>) src(%dma_wait3A_80 : memref<128xi32, #tpu.memory_space<hbm>>) dst(%arg8 : memref<128xi32, #tpu.memory_space<vmem>>)
        %dma_start3A_81 = arith.constant 0 : i32
        %dma_start3A_82 = arith.constant 0 : i32
        %dma_start3A_83 = tpu.memref_slice %arg12[%dma_start3A_81, %dma_start3A_82] : memref<10112x128xf32, #tpu.memory_space<vmem_shared>> -> memref<10112x128xf32, #tpu.memory_space<vmem_shared>>
        tpu.enqueue_indirect_dma source(%arg11 : memref<128x128xf32, #tpu.memory_space<vmem>>) target(%dma_start3A_83 : memref<10112x128xf32, #tpu.memory_space<vmem_shared>>) offsets(%arg9 : memref<128xi32, #tpu.memory_space<vmem>>) semaphore(%arg16 : memref<!tpu.dma_semaphore, #tpu.memory_space<semaphore_mem>>) {add = true}
        %add3A_84 = arith.constant 2 : i32
        %add3A_85 = arith.addi %add3A_73, %add3A_84 : i32
        %lt3A_86 = arith.constant 158 : i32
        %lt3A_87 = arith.cmpi slt, %add3A_85, %lt3A_86 : i32
        %convert_element_type3A_88 = arith.extui %lt3A_87 : i1 to i32
        %cond3A_89 = arith.constant 0 : i32
        %cond3A_90 = arith.cmpi ne, %convert_element_type3A_88, %cond3A_89 : i32
        scf.if %cond3A_90 {
          %add3A_103 = arith.constant 2 : i32
          %add3A_104 = arith.addi %add3A_73, %add3A_103 : i32
          %mul3A_105 = arith.constant 128 : i32
          %mul3A_106 = arith.muli %add3A_104, %mul3A_105 : i32
          %add3A_107 = arith.addi %mul3A_4, %mul3A_106 : i32
          %dma_start3A_108 = tpu.memref_slice %arg3[%add3A_107] : memref<323584xi32, #tpu.memory_space<hbm>> -> memref<128xi32, #tpu.memory_space<hbm>>
          %dma_start3A_109 = tpu.memref_slice %arg3[%add3A_107] : memref<323584xi32, #tpu.memory_space<hbm>> -> memref<128xi32, #tpu.memory_space<hbm>>
          tpu.enqueue_dma source(%dma_start3A_109 : memref<128xi32, #tpu.memory_space<hbm>>) target(%arg7 : memref<128xi32, #tpu.memory_space<vmem>>) target_semaphore(%arg13 : memref<!tpu.dma_semaphore, #tpu.memory_space<semaphore_mem>>)
        } else {
        }
        %ge3A_91 = arith.constant 1 : i32
        %ge3A_92 = arith.cmpi sge, %add3A_73, %ge3A_91 : i32
        %convert_element_type3A_93 = arith.extui %ge3A_92 : i1 to i32
        %cond3A_94 = arith.constant 0 : i32
        %cond3A_95 = arith.cmpi ne, %convert_element_type3A_93, %cond3A_94 : i32
        scf.if %cond3A_95 {
          %dma_wait3A_103 = arith.constant 0 : i32
          %dma_wait3A_104 = arith.constant 0 : i32
          %dma_wait3A_105 = tpu.memref_slice %arg12[%dma_wait3A_103, %dma_wait3A_104] : memref<10112x128xf32, #tpu.memory_space<vmem_shared>> -> memref<10112x128xf32, #tpu.memory_space<vmem_shared>>
          tpu.wait_indirect_dma semaphore(%arg16 : memref<!tpu.dma_semaphore, #tpu.memory_space<semaphore_mem>>) src(%arg10 : memref<128x128xf32, #tpu.memory_space<vmem>>) dst(%dma_wait3A_105 : memref<10112x128xf32, #tpu.memory_space<vmem_shared>>)
        } else {
        }
        %add3A_96 = arith.constant 1 : i32
        %add3A_97 = arith.addi %add3A_73, %add3A_96 : i32
        %lt3A_98 = arith.constant 158 : i32
        %lt3A_99 = arith.cmpi slt, %add3A_97, %lt3A_98 : i32
        %convert_element_type3A_100 = arith.extui %lt3A_99 : i1 to i32
        %cond3A_101 = arith.constant 0 : i32
        %cond3A_102 = arith.cmpi ne, %convert_element_type3A_100, %cond3A_101 : i32
        scf.if %cond3A_102 {
          %add3A_103 = arith.constant 1 : i32
          %add3A_104 = arith.addi %add3A_73, %add3A_103 : i32
          %mul3A_105 = arith.constant 128 : i32
          %mul3A_106 = arith.muli %add3A_104, %mul3A_105 : i32
          %add3A_107 = arith.addi %mul3A_4, %mul3A_106 : i32
          %dma_start3A_108 = tpu.memref_slice %arg4[%add3A_107] : memref<323584xi32, #tpu.memory_space<hbm>> -> memref<128xi32, #tpu.memory_space<hbm>>
          %dma_start3A_109 = tpu.memref_slice %arg4[%add3A_107] : memref<323584xi32, #tpu.memory_space<hbm>> -> memref<128xi32, #tpu.memory_space<hbm>>
          tpu.enqueue_dma source(%dma_start3A_109 : memref<128xi32, #tpu.memory_space<hbm>>) target(%arg8 : memref<128xi32, #tpu.memory_space<vmem>>) target_semaphore(%arg14 : memref<!tpu.dma_semaphore, #tpu.memory_space<semaphore_mem>>)
          %dma_wait3A_110 = arith.constant 0 : i32
          %dma_wait3A_111 = tpu.memref_slice %arg3[%dma_wait3A_110] : memref<323584xi32, #tpu.memory_space<hbm>> -> memref<128xi32, #tpu.memory_space<hbm>>
          %dma_wait3A_112 = arith.constant 0 : i32
          %dma_wait3A_113 = tpu.memref_slice %arg3[%dma_wait3A_112] : memref<323584xi32, #tpu.memory_space<hbm>> -> memref<128xi32, #tpu.memory_space<hbm>>
          tpu.wait_dma2 semaphore(%arg13 : memref<!tpu.dma_semaphore, #tpu.memory_space<semaphore_mem>>) src(%dma_wait3A_113 : memref<128xi32, #tpu.memory_space<hbm>>) dst(%arg6 : memref<128xi32, #tpu.memory_space<vmem>>)
          %dma_start3A_114 = arith.constant 0 : i32
          %dma_start3A_115 = arith.constant 0 : i32
          %dma_start3A_116 = tpu.memref_slice %arg2[%dma_start3A_114, %dma_start3A_115] : memref<10112x128xf32, #tpu.memory_space<hbm>> -> memref<10112x128xf32, #tpu.memory_space<hbm>>
          tpu.enqueue_indirect_dma source(%dma_start3A_116 : memref<10112x128xf32, #tpu.memory_space<hbm>>) target(%arg10 : memref<128x128xf32, #tpu.memory_space<vmem>>) offsets(%arg6 : memref<128xi32, #tpu.memory_space<vmem>>) semaphore(%arg15 : memref<!tpu.dma_semaphore, #tpu.memory_space<semaphore_mem>>)
        } else {
        }
      }
      %scan3A_29 = arith.constant 79 : i32
      %dma_wait3A_30 = arith.constant 0 : i32
      %dma_wait3A_31 = arith.constant 0 : i32
      %dma_wait3A_32 = tpu.memref_slice %arg12[%dma_wait3A_30, %dma_wait3A_31] : memref<10112x128xf32, #tpu.memory_space<vmem_shared>> -> memref<10112x128xf32, #tpu.memory_space<vmem_shared>>
      tpu.wait_indirect_dma semaphore(%arg16 : memref<!tpu.dma_semaphore, #tpu.memory_space<semaphore_mem>>) src(%arg10 : memref<128x128xf32, #tpu.memory_space<vmem>>) dst(%dma_wait3A_32 : memref<10112x128xf32, #tpu.memory_space<vmem_shared>>)
      %barrier3A_33 = arith.constant 0 : index
      tpu.barrier barrier_id(%barrier3A_33)
      %mul3A_34 = arith.constant 632 : i32
      %mul3A_35 = arith.muli %arg1, %mul3A_34 : i32
      %mul3A_36 = arith.constant 632 : i32
      %mul3A_37 = arith.muli %arg1, %mul3A_36 : i32
      "tpu.region"() ({
        %run_scoped3A = tpu.sem_alloc : memref<!tpu.dma_semaphore, #tpu.memory_space<semaphore_mem>>
        %dma_start3A_38 = arith.constant 0 : i32
        %dma_start3A_39 = tpu.memref_slice %arg5[%mul3A_37, %dma_start3A_38] : memref<10112x128xf32, #tpu.memory_space<hbm>> -> memref<632x128xf32, #tpu.memory_space<hbm>>
        %dma_start3A_40 = arith.constant 0 : i32
        %dma_start3A_41 = tpu.memref_slice %arg12[%mul3A_35, %dma_start3A_40] : memref<10112x128xf32, #tpu.memory_space<vmem_shared>> -> memref<632x128xf32, #tpu.memory_space<vmem_shared>>
        tpu.enqueue_dma source(%dma_start3A_41 : memref<632x128xf32, #tpu.memory_space<vmem_shared>>) target(%dma_start3A_39 : memref<632x128xf32, #tpu.memory_space<hbm>>) target_semaphore(%run_scoped3A : memref<!tpu.dma_semaphore, #tpu.memory_space<semaphore_mem>>)
        %dma_wait3A_42 = arith.constant 0 : i32
        %dma_wait3A_43 = tpu.memref_slice %arg5[%mul3A_37, %dma_wait3A_42] : memref<10112x128xf32, #tpu.memory_space<hbm>> -> memref<632x128xf32, #tpu.memory_space<hbm>>
        %dma_wait3A_44 = arith.constant 0 : i32
        %dma_wait3A_45 = tpu.memref_slice %arg12[%mul3A_35, %dma_wait3A_44] : memref<10112x128xf32, #tpu.memory_space<vmem_shared>> -> memref<632x128xf32, #tpu.memory_space<vmem_shared>>
        tpu.wait_dma2 semaphore(%run_scoped3A : memref<!tpu.dma_semaphore, #tpu.memory_space<semaphore_mem>>) src(%dma_wait3A_45 : memref<632x128xf32, #tpu.memory_space<vmem_shared>>) dst(%dma_wait3A_43 : memref<632x128xf32, #tpu.memory_space<hbm>>)
        tpu.yield
      }) : () -> ()
    } else {
    }
    return
  }
}

module attributes {stable_mosaic.version = 14 : i64} {
  func.func @_combine_mid(%arg0: i32, %arg1: memref<1264x8xf32, #tpu.memory_space<vmem>>, %arg2: memref<1264x128xf32, #tpu.memory_space<vmem>>, %arg3: memref<1264x128xf32, #tpu.memory_space<vmem>>) attributes {dimension_semantics = [#tpu.dimension_semantics<arbitrary>], iteration_bounds = array<i64: 8>, scalar_prefetch = 0 : i64, scratch_operands = 0 : i64, tpu.core_type = #tpu.core_type<tc>, window_params = [{transform_indices = @transform_0, window_bounds = array<i64: 1264, 8>}, {transform_indices = @transform_1, window_bounds = array<i64: 1264, 128>}, {transform_indices = @transform_2, window_bounds = array<i64: 1264, 128>}]} {
    %get3A = arith.constant 0 : index
    %get3A_0 = arith.constant 0 : index
    %get3A_1 = vector.load %arg1[%get3A, %get3A_0] : memref<1264x8xf32, #tpu.memory_space<vmem>>, vector<1264x8xf32>
    %slice3A = vector.extract_strided_slice %get3A_1 {offsets = [0, 0], sizes = [1264, 1], strides = [1, 1]} : vector<1264x8xf32> to vector<1264x1xf32>
    %squeeze3A = vector.shape_cast %slice3A : vector<1264x1xf32> to vector<1264xf32>
    %get3A_2 = arith.constant 0 : index
    %get3A_3 = arith.constant 0 : index
    %get3A_4 = vector.load %arg2[%get3A_2, %get3A_3] : memref<1264x128xf32, #tpu.memory_space<vmem>>, vector<1264x128xf32>
    %mul3A = arith.mulf %squeeze3A, %squeeze3A : vector<1264xf32>
    %broadcast_in_dim3A = vector.shape_cast %mul3A : vector<1264xf32> to vector<1264x1xf32>
    %mul3A_5 = vector.broadcast %broadcast_in_dim3A : vector<1264x1xf32> to vector<1264x128xf32>
    %mul3A_6 = arith.mulf %get3A_4, %mul3A_5 : vector<1264x128xf32>
    %swap3A = arith.constant 0 : index
    %swap3A_7 = arith.constant 0 : index
    %swap3A_8 = vector.load %arg3[%swap3A, %swap3A_7] : memref<1264x128xf32, #tpu.memory_space<vmem>>, vector<1264x128xf32>
    tpu.vector_store %arg3[%swap3A, %swap3A_7], %mul3A_6 {strides = array<i32>} : memref<1264x128xf32, #tpu.memory_space<vmem>>, vector<1264x128xf32>,
    return
  }
  func.func @transform_0(%arg0: i32) -> (i32, i32) {
    %c0_i32 = arith.constant 0 : i32
    %c0_i32_0 = arith.constant 0 : i32
    return %arg0, %c0_i32 : i32, i32
  }
  func.func @transform_1(%arg0: i32) -> (i32, i32) {
    %c0_i32 = arith.constant 0 : i32
    %c0_i32_0 = arith.constant 0 : i32
    return %arg0, %c0_i32 : i32, i32
  }
  func.func @transform_2(%arg0: i32) -> (i32, i32) {
    %c0_i32 = arith.constant 0 : i32
    %c0_i32_0 = arith.constant 0 : i32
    return %arg0, %c0_i32 : i32, i32
  }
}

module attributes {stable_mosaic.version = 14 : i64} {
  func.func @_scale_z0(%arg0: i32, %arg1: memref<2x1264x128xf32, #tpu.memory_space<vmem>>, %arg2: memref<1264x128xf32, #tpu.memory_space<vmem>>, %arg3: memref<1264x128xf32, #tpu.memory_space<vmem>>, %arg4: memref<1264x8xf32, #tpu.memory_space<vmem>>) attributes {dimension_semantics = [#tpu.dimension_semantics<arbitrary>], iteration_bounds = array<i64: 8>, scalar_prefetch = 0 : i64, scratch_operands = 0 : i64, tpu.core_type = #tpu.core_type<tc>, window_params = [{transform_indices = @transform_0, window_bounds = array<i64: 2, 1264, 128>}, {transform_indices = @transform_1, window_bounds = array<i64: 1264, 128>}, {transform_indices = @transform_2, window_bounds = array<i64: 1264, 128>}, {transform_indices = @transform_3, window_bounds = array<i64: 1264, 8>}]} {
    %get3A = arith.constant 0 : index
    %get3A_0 = arith.constant 0 : index
    %get3A_1 = arith.constant 0 : index
    %get3A_2 = vector.load %arg1[%get3A, %get3A_0, %get3A_1] : memref<2x1264x128xf32, #tpu.memory_space<vmem>>, vector<1x1264x1xf32>
    %get3A_3 = vector.shape_cast %get3A_2 : vector<1x1264x1xf32> to vector<1264xf32>
    %get3A_4 = arith.constant 1 : index
    %get3A_5 = arith.constant 0 : index
    %get3A_6 = arith.constant 0 : index
    %get3A_7 = vector.load %arg1[%get3A_4, %get3A_5, %get3A_6] : memref<2x1264x128xf32, #tpu.memory_space<vmem>>, vector<1x1264x1xf32>
    %get3A_8 = vector.shape_cast %get3A_7 : vector<1x1264x1xf32> to vector<1264xf32>
    %add3A = arith.addf %get3A_3, %get3A_8 : vector<1264xf32>
    %add3A_9 = arith.constant 1.000000e+00 : f32
    %add3A_10 = vector.broadcast %add3A_9 : f32 to vector<1264xf32>
    %add3A_11 = arith.addf %add3A, %add3A_10 : vector<1264xf32>
    %rsqrt3A = math.rsqrt %add3A_11 : vector<1264xf32>
    %get3A_12 = arith.constant 0 : index
    %get3A_13 = arith.constant 0 : index
    %get3A_14 = vector.load %arg2[%get3A_12, %get3A_13] : memref<1264x128xf32, #tpu.memory_space<vmem>>, vector<1264x128xf32>
    %broadcast_in_dim3A = vector.shape_cast %rsqrt3A : vector<1264xf32> to vector<1264x1xf32>
    %mul3A = vector.broadcast %broadcast_in_dim3A : vector<1264x1xf32> to vector<1264x128xf32>
    %mul3A_15 = arith.mulf %get3A_14, %mul3A : vector<1264x128xf32>
    %swap3A = arith.constant 0 : index
    %swap3A_16 = arith.constant 0 : index
    %swap3A_17 = vector.load %arg3[%swap3A, %swap3A_16] : memref<1264x128xf32, #tpu.memory_space<vmem>>, vector<1264x128xf32>
    tpu.vector_store %arg3[%swap3A, %swap3A_16], %mul3A_15 {strides = array<i32>} : memref<1264x128xf32, #tpu.memory_space<vmem>>, vector<1264x128xf32>,
    %broadcast_in_dim3A_18 = vector.shape_cast %rsqrt3A : vector<1264xf32> to vector<1264x1xf32>
    %broadcast_in_dim3A_19 = arith.constant 1.000000e+00 : f32
    %broadcast_in_dim3A_20 = vector.broadcast %broadcast_in_dim3A_19 : f32 to vector<1x8xf32>
    %mul3A_21 = vector.broadcast %broadcast_in_dim3A_18 : vector<1264x1xf32> to vector<1264x8xf32>
    %mul3A_22 = vector.broadcast %broadcast_in_dim3A_20 : vector<1x8xf32> to vector<1264x8xf32>
    %mul3A_23 = arith.mulf %mul3A_21, %mul3A_22 : vector<1264x8xf32>
    %swap3A_24 = arith.constant 0 : index
    %swap3A_25 = arith.constant 0 : index
    %swap3A_26 = vector.load %arg4[%swap3A_24, %swap3A_25] : memref<1264x8xf32, #tpu.memory_space<vmem>>, vector<1264x8xf32>
    tpu.vector_store %arg4[%swap3A_24, %swap3A_25], %mul3A_23 {strides = array<i32>} : memref<1264x8xf32, #tpu.memory_space<vmem>>, vector<1264x8xf32>,
    return
  }
  func.func @transform_0(%arg0: i32) -> (i32, i32, i32) {
    %c0_i32 = arith.constant 0 : i32
    %c0_i32_0 = arith.constant 0 : i32
    %c0_i32_1 = arith.constant 0 : i32
    return %c0_i32, %arg0, %c0_i32_0 : i32, i32, i32
  }
  func.func @transform_1(%arg0: i32) -> (i32, i32) {
    %c0_i32 = arith.constant 0 : i32
    %c0_i32_0 = arith.constant 0 : i32
    return %arg0, %c0_i32 : i32, i32
  }
  func.func @transform_2(%arg0: i32) -> (i32, i32) {
    %c0_i32 = arith.constant 0 : i32
    %c0_i32_0 = arith.constant 0 : i32
    return %arg0, %c0_i32 : i32, i32
  }
  func.func @transform_3(%arg0: i32) -> (i32, i32) {
    %c0_i32 = arith.constant 0 : i32
    %c0_i32_0 = arith.constant 0 : i32
    return %arg0, %c0_i32 : i32, i32
  }
}

module attributes {stable_mosaic.version = 14 : i64} {
  func.func @_final(%arg0: i32, %arg1: memref<1264x8xf32, #tpu.memory_space<vmem>>, %arg2: memref<1264x128xf32, #tpu.memory_space<vmem>>, %arg3: memref<128x128xf32, #tpu.memory_space<vmem>>, %arg4: memref<1x128xf32, #tpu.memory_space<vmem>>, %arg5: memref<1264x128xf32, #tpu.memory_space<vmem>>) attributes {dimension_semantics = [#tpu.dimension_semantics<arbitrary>], iteration_bounds = array<i64: 8>, scalar_prefetch = 0 : i64, scratch_operands = 0 : i64, tpu.core_type = #tpu.core_type<tc>, window_params = [{transform_indices = @transform_0, window_bounds = array<i64: 1264, 8>}, {transform_indices = @transform_1, window_bounds = array<i64: 1264, 128>}, {pipeline_mode = #tpu.pipeline_mode<synchronous>, transform_indices = @transform_2, window_bounds = array<i64: 128, 128>}, {pipeline_mode = #tpu.pipeline_mode<synchronous>, transform_indices = @transform_3, window_bounds = array<i64: 1, 128>}, {transform_indices = @transform_4, window_bounds = array<i64: 1264, 128>}]} {
    %get3A = arith.constant 0 : index
    %get3A_0 = arith.constant 0 : index
    %get3A_1 = vector.load %arg1[%get3A, %get3A_0] : memref<1264x8xf32, #tpu.memory_space<vmem>>, vector<1264x8xf32>
    %slice3A = vector.extract_strided_slice %get3A_1 {offsets = [0, 0], sizes = [1264, 1], strides = [1, 1]} : vector<1264x8xf32> to vector<1264x1xf32>
    %squeeze3A = vector.shape_cast %slice3A : vector<1264x1xf32> to vector<1264xf32>
    %get3A_2 = arith.constant 0 : index
    %get3A_3 = arith.constant 0 : index
    %get3A_4 = vector.load %arg2[%get3A_2, %get3A_3] : memref<1264x128xf32, #tpu.memory_space<vmem>>, vector<1264x128xf32>
    %broadcast_in_dim3A = vector.shape_cast %squeeze3A : vector<1264xf32> to vector<1264x1xf32>
    %mul3A = vector.broadcast %broadcast_in_dim3A : vector<1264x1xf32> to vector<1264x128xf32>
    %mul3A_5 = arith.mulf %get3A_4, %mul3A : vector<1264x128xf32>
    %get3A_6 = arith.constant 0 : index
    %get3A_7 = arith.constant 0 : index
    %get3A_8 = vector.load %arg3[%get3A_6, %get3A_7] : memref<128x128xf32, #tpu.memory_space<vmem>>, vector<128x128xf32>
    %dot_general3A = arith.constant dense<0.000000e+00> : vector<1264x128xf32>
    %dot_general3A_9 = tpu.matmul %mul3A_5, %get3A_8, %dot_general3A {dimension_numbers = #tpu.dot_dimension_numbers<[1], [0], [0], [1], [0, 0, 1, 1], [], []>, transpose_lhs_hint = false} : vector<1264x128xf32>, vector<128x128xf32>, vector<1264x128xf32> -> vector<1264x128xf32>
    %get3A_10 = arith.constant 0 : index
    %get3A_11 = arith.constant 0 : index
    %get3A_12 = vector.load %arg4[%get3A_10, %get3A_11] : memref<1x128xf32, #tpu.memory_space<vmem>>, vector<1x128xf32>
    %add3A = vector.broadcast %get3A_12 : vector<1x128xf32> to vector<1264x128xf32>
    %add3A_13 = arith.addf %dot_general3A_9, %add3A : vector<1264x128xf32>
    %swap3A = arith.constant 0 : index
    %swap3A_14 = arith.constant 0 : index
    %swap3A_15 = vector.load %arg5[%swap3A, %swap3A_14] : memref<1264x128xf32, #tpu.memory_space<vmem>>, vector<1264x128xf32>
    tpu.vector_store %arg5[%swap3A, %swap3A_14], %add3A_13 {strides = array<i32>} : memref<1264x128xf32, #tpu.memory_space<vmem>>, vector<1264x128xf32>,
    return
  }
  func.func @transform_0(%arg0: i32) -> (i32, i32) {
    %c0_i32 = arith.constant 0 : i32
    %c0_i32_0 = arith.constant 0 : i32
    return %arg0, %c0_i32 : i32, i32
  }
  func.func @transform_1(%arg0: i32) -> (i32, i32) {
    %c0_i32 = arith.constant 0 : i32
    %c0_i32_0 = arith.constant 0 : i32
    return %arg0, %c0_i32 : i32, i32
  }
  func.func @transform_2(%arg0: i32) -> (i32, i32) {
    %c0_i32 = arith.constant 0 : i32
    %c0_i32_0 = arith.constant 0 : i32
    %c0_i32_1 = arith.constant 0 : i32
    return %c0_i32, %c0_i32_0 : i32, i32
  }
  func.func @transform_3(%arg0: i32) -> (i32, i32) {
    %c0_i32 = arith.constant 0 : i32
    %c0_i32_0 = arith.constant 0 : i32
    %c0_i32_1 = arith.constant 0 : i32
    return %c0_i32, %c0_i32_0 : i32, i32
  }
  func.func @transform_4(%arg0: i32) -> (i32, i32) {
    %c0_i32 = arith.constant 0 : i32
    %c0_i32_0 = arith.constant 0 : i32
    return %arg0, %c0_i32 : i32, i32
  }
}

</mosaic_0001>

<sc_bundles>
// kernel: kernel.11.cloned.1.call-start
scs
__scs_entry_jumppad:
0x0: {  	(pc) =	sbr.rel $0x88, $3  }
0x1: {  	(tag) =	ssettag $0x0;
	lr =	simm.s32 $0x1  }
0x2: {  	[smem:$0x3F9C] =	sst lr;
	_ =	strace $0xD0000000  }
0x3: {  	_ = 	snop  }
0x4: {  	_ = 	snop  }
0x5: {  	_ = 	snop  }
0x6: {  	_ = 	snop  }
0x7: {  	_ = 	snop  }
__scs_overlays_trampoline_lowered:
0x8: {  	[smem:$0x3FAB] =	sst s0  }
0x9: {  	[smem:$0x3FAC] =	sst s1  }
0xa: {  	[smem:$0x3FAD] =	sst s2  }
0xb: {  	[smem:$0x3FAE] =	sst s3  }
0xc: {  	[smem:$0x3FAF] =	sst s4  }
0xd: {  	[smem:$0x3FB0] =	sst s5  }
0xe: {  	[smem:$0x3FB1] =	sst s6  }
0xf: {  	[smem:$0x3FB2] =	sst s7  }
0x10: {  	[smem:$0x3FB3] =	sst s8  }
0x11: {  	[smem:$0x3FB4] =	sst s9;
	s0 =	simm.s32 @!p0 $0x0  }
0x12: {  	s1 =	sld [smem:$0x3F9A];
	s0 =	simm.s32 @p0 $0x1  }
0x13: {  	[smem:$0x3FB5] =	sst s0;
	s0 =	simm.s32 @!p1 $0x0  }
0x14: {  	s2 =	sld [smem:$0x3F99];
	s0 =	simm.s32 @p1 $0x1  }
0x15: {  	[smem:$0x3FB6] =	sst s0;
	s0 =	simm.s32 @!p2 $0x0  }
0x16: {  	s3 =	sld [smem:$0x3FDB];
	s0 =	simm.s32 @p2 $0x1  }
0x17: {  	s4 =	simm.s32 $0x1BF5;
	[smem:$0x3FB8] =	sst s0  }
0x18: {  	s0 =	sld [smem:$0x3F9B];
	_ =	swait.ge [sflag:s4], $0x0  }
0x19: {  	s7 =	sld [smem:$0x3F9C]  }
0x1a: {  	s8 =	sadd.s32 $0xFFFFE003, lr  }
0x1b: {  	s9 =	sadd.s32 $0xFFFFFEF7, lr;
	s5 =	simm.s32 $0xFFFFFFFF;
	p2 =	slt.u32 s8, $0xFFFFF086  }
0x1c: {  	p1 =	slt.u32 s9, $0xF7A;
	s5 =	simm.s32 @!p2 $0x0  }
0x1d: {  	s5 =	simm.s32 @p1 $0x1;
	p0 =	seq.s32 s7, s2  }
0x1e: {  	s7 =	smul.u32 @!p0 $0xF7A, s2;
	p2 =	seq.s32 @!p0 s5, $0x0  }
0x1f: {  	s9 =	smul.u32 $0xF7A, s1;
	s8 =	simm.s32 @!p0 $0x1BF5;
	p2 =	por !p2, p0  }
0x20: {  	[sflag:s8] =	ssyncset.s32 @!p0 $0xFFFFF086;
	s6 =	sadd.s32 @!p0 s3, s7;
	s7 =	simm.s32 @!p0 $0x108  }
0x21: {  	s3 =	sadd.s32 s3, s9;
	s6 =	sadd.s32 @!p0 $0x88, s6;
	s7 =	simm.s32 @p2 $0x1082  }
0x22: {  	[simem:s7], [sflag:s8] =	dma.local @!p0 [hbm:s6], $0xF7A  }
0x23: {  	s9 =	sor.u32 $0xD0000000, s2;
	s6 =	simm.s32 $0x108;
	_ =	swait.ge @!p0 [sflag:s8], $0x0  }
0x24: {  	s3 =	sadd.s32 $0x88, s3;
	s6 =	simm.s32 @!p1 $0x1082;
	[sflag:s4] =	ssyncset.s32 $0xFFFFF086  }
0x25: {  	[simem:s6], [sflag:s4] =	dma.local [hbm:s3], $0xF7A  }
0x26: {  	[smem:$0x3F9C] =	sst s1;
	(tag) =	ssettag s2;
	_ =	strace s9  }
0x27: {  	s1 =	sld [smem:$0x3FAC]  }
0x28: {  	s2 =	sld [smem:$0x3FAD]  }
0x29: {  	s4 =	sld [smem:$0x3FAF]  }
0x2a: {  	p0 =	seq.s32 s5, $0x0;
	s5 =	sld [smem:$0x3FB0]  }
0x2b: {  	s6 =	sld [smem:$0x3FB1]  }
0x2c: {  	s7 =	sld [smem:$0x3FB2]  }
0x2d: {  	s3 =	simm.s32 $0x108;
	s8 =	sld [smem:$0x3FB3]  }
0x2e: {  	s3 =	simm.s32 @!p0 $0x1082;
	s9 =	sld [smem:$0x3FB4]  }
0x2f: {  	lr =	sadd.s32 s0, s3;
	s0 =	sld [smem:$0x3FAB]  }
0x30: {  	s3 =	sld [smem:$0x3FAE]  }
0x31: {  	[smem:$0x3FB7] =	sst s10  }
0x32: {  	s10 =	sld [smem:$0x3FB5];
	_ =	sdelay $0x3  }
0x33: {  	p0 =	seq.s32 s10, $0x1;
	s10 =	sld [smem:$0x3FB7];
	_ =	sdelay $0x3  }
0x34: {  	[smem:$0x3FB7] =	sst s10  }
0x35: {  	s10 =	sld [smem:$0x3FB6];
	_ =	sdelay $0x3  }
0x36: {  	p1 =	seq.s32 s10, $0x1;
	s10 =	sld [smem:$0x3FB7];
	_ =	sdelay $0x3  }
0x37: {  	[smem:$0x3FB7] =	sst s10  }
0x38: {  	s10 =	sld [smem:$0x3FB8]  }
0x39: {  	_ = 	snop;
	(pc) =	sbr.ind lr, $3  }
0x3a: {  	_ = 	snop  }
0x3b: {  	_ = 	snop  }
0x3c: {  	p2 =	seq.s32 s10, $0x1;
	s10 =	sld [smem:$0x3FB7]  }
0x3d: {  	_ =	shalt  }
0x3e: {  	_ =	shalt  }
0x3f: {  	_ =	shalt  }
0x40: {  	_ =	shalt  }
0x41: {  	_ =	shalt  }
0x42: {  	_ =	shalt  }
0x43: {  	_ =	shalt  }
0x44: {  	_ =	shalt  }
0x45: {  	_ =	shalt  }
0x46: {  	_ =	shalt  }
0x47: {  	_ =	shalt  }
0x48: {  	_ =	shalt  }
0x49: {  	_ =	shalt  }
0x4a: {  	_ =	shalt  }
0x4b: {  	_ =	shalt  }
0x4c: {  	_ =	shalt  }
0x4d: {  	_ =	shalt  }
0x4e: {  	_ =	shalt  }
0x4f: {  	_ =	shalt  }
0x50: {  	_ =	shalt  }
0x51: {  	_ =	shalt  }
0x52: {  	_ =	shalt  }
0x53: {  	_ =	shalt  }
0x54: {  	_ =	shalt  }
0x55: {  	_ =	shalt  }
0x56: {  	_ =	shalt  }
0x57: {  	_ =	shalt  }
0x58: {  	_ =	shalt  }
0x59: {  	_ =	shalt  }
0x5a: {  	_ =	shalt  }
0x5b: {  	_ =	shalt  }
0x5c: {  	_ =	shalt  }
0x5d: {  	_ =	shalt  }
0x5e: {  	_ =	shalt  }
0x5f: {  	_ =	shalt  }
0x60: {  	_ =	shalt  }
0x61: {  	_ =	shalt  }
0x62: {  	_ =	shalt  }
0x63: {  	_ =	shalt  }
0x64: {  	_ =	shalt  }
0x65: {  	_ =	shalt  }
0x66: {  	_ =	shalt  }
0x67: {  	_ =	shalt  }
0x68: {  	_ =	shalt  }
0x69: {  	_ =	shalt  }
0x6a: {  	_ =	shalt  }
0x6b: {  	_ =	shalt  }
0x6c: {  	_ =	shalt  }
0x6d: {  	_ =	shalt  }
0x6e: {  	_ =	shalt  }
0x6f: {  	_ =	shalt  }
0x70: {  	_ =	shalt  }
0x71: {  	_ =	shalt  }
0x72: {  	_ =	shalt  }
0x73: {  	_ =	shalt  }
0x74: {  	_ =	shalt  }
0x75: {  	_ =	shalt  }
0x76: {  	_ =	shalt  }
0x77: {  	_ =	shalt  }
0x78: {  	_ =	shalt  }
0x79: {  	_ =	shalt  }
0x7a: {  	_ =	shalt  }
0x7b: {  	_ =	shalt  }
0x7c: {  	_ =	shalt  }
0x7d: {  	_ =	shalt  }
0x7e: {  	_ =	shalt  }
0x7f: {  	_ =	shalt  }
0x80: {  	_ =	shalt  }
0x81: {  	_ =	shalt  }
0x82: {  	_ =	shalt  }
0x83: {  	_ =	shalt  }
0x84: {  	_ =	shalt  }
0x85: {  	_ =	shalt  }
0x86: {  	_ =	shalt  }
0x87: {  	_ =	shalt  }
.Lfunc_end0:
.L_simem_size_0:
called_computation.1_lowered:
.L_overlay_start_0:
0x88: {  	s2 =	sld [smem:$0x3FD9]  }
0x89: {  	s3 =	sld [smem:$0x3FFE];
	_ =	sdelay $0x1  }
0x8a: {  	s1 =	srdreg.scid  }
0x8b: {  	s0 =	sand.u32 $0x1, s1  }
0x8c: {  	s17 =	sshll.u32 s0, $0xA;
	s2 =	sadd.s32 s3, s2  }
0x8d: {  	s2 =	sadd.s32 s2, s17  }
0x8e: {  	[smem:$0x3FC3] =	sst s2  }
0x8f: {  	_ = 	snop  }
0x90: {  	s2 =	sld [smem:$0x3FD0];
	(tm) =	ssettm $0x1  }
0x91: {  	s18 =	sld [smem:$0x3FFB];
	_ =	sdelay $0x3  }
0x92: {  	_ =	strace s18  }
0x93: {  	s3 =	sld [smem:$0x3FFC];
	_ =	sdelay $0x3  }
0x94: {  	_ =	strace s3  }
0x95: {  	s3 =	sld [smem:$0x3FFD];
	_ =	sdelay $0x3  }
0x96: {  	_ =	strace s3  }
0x97: {  	_ =	strace $0x8FFFFFFF  }
0x98: {  	s19 =	sld [smem:$0x3FDB];
	_ =	sdelay $0x1  }
0x99: {  	s4 =	simm.s32 $_scs_section_size  }
0x9a: {  	s5 =	simm.s32 $_size__tile_overlayer_lowered;
	s6 =	simm.s32 $_tile_overlayer_lowered  }
0x9b: {  	s22 =	simm.s32 $0x1BFF;
	s21 =	sshll.u32 s6, $0x1;
	s3 =	sadd.s32 s4, s19  }
0x9c: {  	s7 =	simm.s32 $0x0;
	s20 =	sshll.u32 s5, $0x1;
	s5 =	sadd.s32 s21, s3  }
0x9d: {  	[timem:s7], [sflag:s22] =	dma.local [hbm:s5], s20  }
0x9e: {  	_ =	swait.ge [sflag:s22], s20  }
0x9f: {  	s4 =	ssub.s32 $0x0, s20;
	[sflag:s22] =	ssyncset.done $0x0  }
0xa0: {  	[sflag:s22] =	ssyncadd.s32 s4;
	_ =	sdelay $0x1  }
0xa1: {  	s23 =	simm.s32 $0x1B8B  }
0xa2: {  	_ =	swait.ge [sflag:s23], $0x1  }
0xa3: {  	[sflag:s23] =	ssyncset.done $0x0  }
0xa4: {  	s25 =	simm.s32 $0x1B8E;
	s24 =	sld [smem:$0x3FFE];
	[sflag:s23] =	ssyncadd.s32 $0xFFFFFFFF  }
0xa5: {  	s26 =	simm.s32 $execute0_lowered;
	[smem:$0x3FD2] =	sst s25  }
0xa6: {  	s5 =	sshll.u32 s26, $0x1;
	_ =	strace $0x80000049;
	[dreg:$0x1] =	wrdreg $0xFFFFFFFF  }
0xa7: {  	s28 =	simm.s32 $_size_execute0_lowered;
	s3 =	sadd.s32 s3, s5;
	[dreg:$0x0] =	wrdreg $0x0  }
0xa8: {  	s5 =	sshll.u32 s28, $0x1;
	[dreg:$0x2] =	wrdreg s3  }
0xa9: {  	[dreg:$0x3] =	wrdreg s5  }
0xaa: {  	[dreg:$0x4] =	wrdreg $0xC0  }
0xab: {  	_ =	task [dreg:s7], $0x5FFFF  }
0xac: {  	[dreg:$0x1] =	wrdreg $0xFFFFFFFF  }
0xad: {  	[dreg:$0x0] =	wrdreg $0x60  }
0xae: {  	[dreg:$0x2] =	wrdreg s24  }
0xaf: {  	[dreg:$0x3] =	wrdreg s2  }
0xb0: {  	[dreg:$0x4] =	wrdreg $0x82000  }
0xb1: {  	[dreg:$0x5] =	wrdreg $0x9  }
0xb2: {  	_ =	task.clear_ibuf [dreg:s7], $0x6FFFF;
	_ =	strace $0x90000049  }
0xb3: {  	s29 =	simm.s32 $0x9;
	_ =	strace $0x8000004B  }
0xb4: {  	_ =	swait.ge [sflag:s29], $0x1  }
0xb5: {  	[sflag:s29] =	ssyncadd.s32 $0xFFFFFFFF  }
0xb6: {  	_ =	strace $0x9000004B  }
0xb7: {  	_ =	sfence  }
0xb8: {  	s30 =	sld [smem:$0x0];
	_ =	sdelay $0x2  }
0xb9: {  	s31 =	sshll.u32 s1, $0xD;
	s1 =	sshrl.u32 s1, $0x2  }
0xba: {  	s3 =	sand.u32 $0x4000, s31;
	s1 =	sadd.s32 s1, s30  }
0xbb: {  	s0 =	sor.u32 s3, s0;
	s1 =	sshll.u32 s1, $0x11  }
0xbc: {  	s0 =	sor.u32 s1, s0  }
0xbd: {  	s0 =	sadd.s32 $0x8F2B, s0  }
0xbe: {  	[sflag:s0] =	ssyncadd.remote.s32 $0x1  }
0xbf: {  	_ =	sfence.sel $0xFFFF  }
0xc0: {  	[dreg:$0x0] =	wrdreg $0xFFFFFFFF;
	(pc) =	sbr.abs _section_cstart, $3  }
0xc1: {  	[dreg:$0x1] =	wrdreg $0xFFFFFFFF  }
0xc2: {  	_ =	task.clear_ibuf [dreg:s7], $0x2FFFF;
	_ =	strace $0x9FFFFFFF  }
0xc3: {  	(tm) =	ssettm $0x7FFFFFFF  }
tec
execute0_lowered:
.L_overlay_start_1:
0x0: {  	(tag) =	ssettag $0x1  }
0x1: {  	s1 =	srdreg.scid  }
0x2: {  	s1 =	sand.u32 $0x1, s1  }
0x3: {  	p0 =	seq.s32 s1, $0x1  }
.Ltmp0:
0x4: {  	s14 =	rddreg [dreg:$0x0];
	(pc) =	sbr.rel @p0 .LBB2_5-.Ltmp0, $4  }
0x5: {  	s13 =	rddreg [dreg:$0x1]  }
0x6: {  	s2 =	rddreg [dreg:$0x2];
	s3 =	simm.s32 $0x0  }
0x7: {  	[smem:$0x7FF] =	sst s3  }
0x8: {  	s0 =	rddreg [dreg:$0x3];
	_ =	strace $0x8000004A;
	s1 =	stileid.u32  }
0x9: {  	s4 =	smul.u32 $0x4F000, s1;
	_ =	sdelay $0x1  }
0xa: {  	s17 =	smul.u32 $0x2780, s1;
	s6 =	sadd.s32 $0x1A00, s14;
	s4 =	sshrl.u32 s4, $0x2  }
0xb: {  	s23 =	sshll.u32 s1, $0x6;
	s24 =	simm.s32 $0x5;
	s5 =	sadd.s32 s4, s2  }
0xc: {  	s7 =	sadd.s32 s6, s17;
	s4 =	sor.u32 $0x1C05, s23;
	s5 =	sshrl.u32 s5, $0x3  }
0xd: {  	[spmem:s5], [sflag:s4] =	dma.local [hbm:s7], $0x2780  }
0xe: {  	s19 =	smul.u32 $0x4F00, s1;
	_ =	swait.ge [sflag:s24], $0x2780  }
0xf: {  	[sflag:s24] =	ssyncset.done $0x0  }
0x10: {  	s18 =	sadd.s32 $0x7B800, s14;
	s15 =	sshrl.u32 s19, $0x3;
	[sflag:s24] =	ssyncadd.s32 $0xFFFFD880  }
0x11: {  	s25 =	sadd.s32 s18, s15;
	[bflag:$0x0] =	sbarrier.arrive $0xFFFF  }
0x12: {  	[tilespmem:s3], [sflag:$0x1] =	stream.linear.gather [hbm4b:s25+s3], $0x80, $0x38;
	[tilespmem:$0x1BE00] =	vst v63  }
0x13: {  	s8 =	sadd.s32 $0x10, s25;
	s7 =	simm.s32 $0x80  }
0x14: {  	[tilespmem:s7], [sflag:$0x1] =	stream.linear.gather [hbm4b:s8+s3], $0x80, $0x38;
	[tilespmem:$0x1BE00] =	vst v63  }
0x15: {  	s9 =	sadd.s32 s13, s15;
	s8 =	simm.s32 $0x100  }
0x16: {  	[tilespmem:s8], [sflag:$0x2] =	stream.linear.gather [hbm4b:s9+s3], $0x80, $0x38;
	[tilespmem:$0x1BE00] =	vst v63  }
0x17: {  	s9 =	simm.s32 $0x1  }
0x18: {  	_ =	swait.ge [sflag:s9], $0x80  }
0x19: {  	[sflag:s9] =	ssyncset.done $0x0  }
0x1a: {  	s10 =	simm.s32 $0x200;
	s11 =	simm.s32 $0x3;
	[sflag:s9] =	ssyncadd.s32 $0xFFFFFF80  }
0x1b: {  	[tilespmem:s10], [sflag:$0x3] =	stream.indirect.gather [hbm4b:s6+s7], $0x80, s3, s7, $0xb8;
	[tilespmem:$0x1BE00] =	vst v63  }
0x1c: {  	_ =	swait.ge [sflag:s11], $0x4000  }
0x1d: {  	[sflag:s11] =	ssyncset.done $0x0  }
0x1e: {  	s12 =	simm.s32 $0x2;
	[sflag:s11] =	ssyncadd.s32 $0xFFFFC000  }
0x1f: {  	_ =	swait.ge [sflag:s12], $0x80  }
0x20: {  	[sflag:s12] =	ssyncset.done $0x0  }
0x21: {  	s16 =	sor.u32 $0x80, s19;
	s20 =	sadd.s32 $0x20, s15;
	[sflag:s12] =	ssyncadd.s32 $0xFFFFFF80  }
0x22: {  	[spmem:s2] =	stream.indirect.scatter.add.f32 [tilespmem:s10], [sflag:$0x4], $0x80, s8, s7, $0xb8;
	[tilespmem:$0x1BE00] =	vst v63  }
0x23: {  	s26 =	sshrl.u32 s16, $0x3;
	s28 =	sadd.s32 s18, s20  }
0x24: {  	[tilespmem:s3], [sflag:$0x1] =	stream.linear.gather [hbm4b:s28+s3], $0x80, $0x38;
	[tilespmem:$0x1BE00] =	vst v63  }
0x25: {  	s15 =	simm.s32 $0x180;
	s29 =	sadd.s32 s13, s26  }
0x26: {  	[tilespmem:s15], [sflag:$0x2] =	stream.linear.gather [hbm4b:s29+s3], $0x80, $0x38;
	[tilespmem:$0x1BE00] =	vst v63  }
0x27: {  	_ =	swait.ge [sflag:s9], $0x80  }
0x28: {  	[sflag:s9] =	ssyncset.done $0x0  }
0x29: {  	s16 =	simm.s32 $0x4200;
	[sflag:s9] =	ssyncadd.s32 $0xFFFFFF80  }
0x2a: {  	[tilespmem:s16], [sflag:$0x3] =	stream.indirect.gather [hbm4b:s6+s7], $0x80, s7, s7, $0xb8;
	[tilespmem:$0x1BE00] =	vst v63  }
0x2b: {  	_ =	swait.ge [sflag:s11], $0x4000  }
0x2c: {  	[sflag:s11] =	ssyncset.done $0x0  }
0x2d: {  	[sflag:s11] =	ssyncadd.s32 $0xFFFFC000  }
0x2e: {  	_ =	swait.ge [sflag:s12], $0x80  }
0x2f: {  	s19 =	sadd.s32 $0x180, s19;
	[sflag:s12] =	ssyncset.done $0x0  }
0x30: {  	s19 =	sshrl.u32 s19, $0x3;
	[sflag:s12] =	ssyncadd.s32 $0xFFFFFF80  }
0x31: {  	[spmem:s2] =	stream.indirect.scatter.add.f32 [tilespmem:s16], [sflag:$0x4], $0x80, s15, s7, $0xb8;
	[tilespmem:$0x1BE00] =	vst v63  }
0x32: {  	s19 =	sadd.s32 s18, s19  }
0x33: {  	[tilespmem:s7], [sflag:$0x1] =	stream.linear.gather [hbm4b:s19+s3], $0x80, $0x38;
	[tilespmem:$0x1BE00] =	vst v63  }
0x34: {  	s19 =	simm.s32 $0x4  }
0x35: {  	_ =	swait.ge [sflag:s19], $0x4000  }
0x36: {  	[sflag:s19] =	ssyncset.done $0x0  }
0x37: {  	s31 =	smul.u32 $0x9E0, s1;
	s20 =	sadd.s32 s13, s20;
	[sflag:s19] =	ssyncadd.s32 $0xFFFFC000  }
0x38: {  	[tilespmem:s8], [sflag:$0x2] =	stream.linear.gather [hbm4b:s20+s3], $0x80, $0x38;
	[tilespmem:$0x1BE00] =	vst v63  }
0x39: {  	s30 =	sadd.s32 s17, s14;
	_ =	swait.ge [sflag:s9], $0x80  }
0x3a: {  	s17 =	sadd.s32 s31, s18;
	s14 =	sadd.s32 $0x29200, s30;
	[sflag:s9] =	ssyncset.done $0x0  }
0x3b: {  	s13 =	sadd.s32 s31, s13;
	s18 =	simm.s32 $0xFFFFF660;
	[sflag:s9] =	ssyncadd.s32 $0xFFFFFF80  }
0x3c: {  	[tilespmem:s10], [sflag:$0x3] =	stream.indirect.gather [hbm4b:s6+s7], $0x80, s3, s7, $0xb8;
	[tilespmem:$0x1BE00] =	vst v63  }
.LBB2_2:
0x3d: {  	_ =	swait.ge [sflag:s11], $0x4000  }
0x3e: {  	[sflag:s11] =	ssyncset.done $0x0  }
0x3f: {  	[sflag:s11] =	ssyncadd.s32 $0xFFFFC000  }
0x40: {  	_ =	swait.ge [sflag:s12], $0x80  }
0x41: {  	p0 =	seq.s32 s18, $0x0;
	[sflag:s12] =	ssyncset.done $0x0  }
0x42: {  	s20 =	sadd.s32 @!p0 s18, s17;
	[sflag:s12] =	ssyncadd.s32 $0xFFFFFF80  }
0x43: {  	[spmem:s2] =	stream.indirect.scatter.add.f32 [tilespmem:s10], [sflag:$0x4], $0x80, s8, s7, $0xb8;
	[tilespmem:$0x1BE00] =	vst v63  }
0x44: {  	s21 =	simm.s32 @!p0 $0x0;
	s20 =	sadd.s32 @!p0 $0x9E0, s20  }
0x45: {  	[tilespmem:s21], [sflag:$0x1] =	stream.linear.gather @!p0 [hbm4b:s20+s21], $0x80, $0x38;
	[tilespmem:$0x1BE00] =	vst v63  }
0x46: {  	_ =	swait.ge [sflag:s19], $0x4000  }
0x47: {  	s20 =	sadd.s32 s18, s13;
	[sflag:s19] =	ssyncset.done $0x0  }
0x48: {  	s31 =	sadd.s32 $0x9D0, s20;
	[sflag:s19] =	ssyncadd.s32 $0xFFFFC000  }
0x49: {  	[tilespmem:s15], [sflag:$0x2] =	stream.linear.gather [hbm4b:s31+s3], $0x80, $0x38;
	[tilespmem:$0x1BE00] =	vst v63  }
0x4a: {  	_ =	swait.ge [sflag:s9], $0x80  }
0x4b: {  	[sflag:s9] =	ssyncset.done $0x0  }
0x4c: {  	[sflag:s9] =	ssyncadd.s32 $0xFFFFFF80  }
0x4d: {  	[tilespmem:s16], [sflag:$0x3] =	stream.indirect.gather [hbm4b:s6+s7], $0x80, s7, s7, $0xb8;
	[tilespmem:$0x1BE00] =	vst v63  }
0x4e: {  	_ =	swait.ge [sflag:s11], $0x4000  }
0x4f: {  	[sflag:s11] =	ssyncset.done $0x0  }
.Ltmp1:
0x50: {  	[sflag:s11] =	ssyncadd.s32 $0xFFFFC000;
	(pc) =	sbr.rel @p0 .LBB2_4-.Ltmp1, $4  }
0x51: {  	_ =	swait.ge [sflag:s12], $0x80  }
0x52: {  	[sflag:s12] =	ssyncset.done $0x0  }
0x53: {  	[sflag:s12] =	ssyncadd.s32 $0xFFFFFF80  }
0x54: {  	[spmem:s2] =	stream.indirect.scatter.add.f32 [tilespmem:s16], [sflag:$0x4], $0x80, s15, s7, $0xb8;
	[tilespmem:$0x1BE00] =	vst v63  }
0x55: {  	s21 =	sadd.s32 s18, s17  }
0x56: {  	s21 =	sadd.s32 $0x9F0, s21  }
0x57: {  	[tilespmem:s7], [sflag:$0x1] =	stream.linear.gather [hbm4b:s21+s3], $0x80, $0x38;
	[tilespmem:$0x1BE00] =	vst v63  }
0x58: {  	_ =	swait.ge [sflag:s19], $0x4000  }
0x59: {  	[sflag:s19] =	ssyncset.done $0x0  }
0x5a: {  	s20 =	sadd.s32 $0x9E0, s20;
	[sflag:s19] =	ssyncadd.s32 $0xFFFFC000  }
0x5b: {  	[tilespmem:s8], [sflag:$0x2] =	stream.linear.gather [hbm4b:s20+s3], $0x80, $0x38;
	[tilespmem:$0x1BE00] =	vst v63  }
.Ltmp2:
0x5c: {  	_ = 	snop;
	(pc) =	sbr.rel .LBB2_2-.Ltmp2, $4  }
0x5d: {  	_ =	swait.ge [sflag:s9], $0x80  }
0x5e: {  	[sflag:s9] =	ssyncset.done $0x0  }
0x5f: {  	s18 =	sadd.s32 $0x20, s18;
	[sflag:s9] =	ssyncadd.s32 $0xFFFFFF80  }
0x60: {  	[tilespmem:s10], [sflag:$0x3] =	stream.indirect.gather [hbm4b:s6+s7], $0x80, s3, s7, $0xb8;
	[tilespmem:$0x1BE00] =	vst v63  }
.LBB2_4:
0x61: {  	s2 =	simm.s32 $0x4  }
0x62: {  	_ =	swait.ge [sflag:s2], $0x4000  }
0x63: {  	[sflag:s2] =	ssyncset.done $0x0  }
0x64: {  	[sflag:s2] =	ssyncadd.s32 $0xFFFFC000  }
0x65: {  	_ =	swait.ge [sflag:s2], $0x4000  }
0x66: {  	[sflag:s2] =	ssyncset.done $0x0  }
0x67: {  	[sflag:s2] =	ssyncadd.s32 $0xFFFFC000  }
0x68: {  	s31 =	simm.s32 $0x5;
	[bflag:$0x0] =	sbarrier.arrive $0xFFFF  }
0x69: {  	[hbm:s14], [sflag:s4] =	dma.local [spmem:s5], $0x2780  }
0x6a: {  	_ =	swait.ge [sflag:s31], $0x2780  }
0x6b: {  	[sflag:s31] =	ssyncset.done $0x0  }
0x6c: {  	[sflag:s31] =	ssyncadd.s32 $0xFFFFD880  }
.LBB2_5:
0x6d: {  	_ =	sfence.sel $0x180000  }
0x6e: {  	[bflag:$0x0] =	sbarrier.arrive $0xFFFF  }
0x6f: {  	p0 =	sne.s32 s1, $0x0;
	_ =	strace $0x9000004A  }
0x70: {  	s0 =	sadd.s32 @!p0 $0x100000, s0;
	[bflag:$0x2] =	sbarrier.arrive $0xFFFF  }
0x71: {  	[sflag:s0] =	ssyncadd.tile.s32 @!p0 $0x1;
	_ =	shalt  }
.Lfunc_end2:
_tile_overlayer_lowered:
.L_overlay_start_2:
0x72: {  	(tag) =	ssettag $0x2  }
0x73: {  	s0 =	rddreg [dreg:$0x0];
	s2 =	stileid.u32  }
0x74: {  	s1 =	rddreg [dreg:$0x1];
	p0 =	sne.s32 s2, $0x0  }
0x75: {  	s3 =	rddreg [dreg:$0x2];
	[bflag:$0x3] =	sbarrier.arrive $0xFFFF;
	s2 =	simm.s32 @!p0 $0x1C05  }
0x76: {  	[timem:s3], [sflag:s2] =	dma.local @!p0 [hbm:s0], s1  }
0x77: {  	s0 =	simm.s32 @!p0 $0x5  }
0x78: {  	_ =	swait.ge @!p0 [sflag:s0], s1  }
0x79: {  	s1 =	ssub.s32 @!p0 $0x0, s1;
	[sflag:s0] =	ssyncset.done @!p0 $0x0  }
0x7a: {  	[sflag:s0] =	ssyncadd.s32 @!p0 s1  }
0x7b: {  	[bflag:$0x3] =	sbarrier.arrive $0xFFFF  }
0x7c: {  	_ =	shalt  }

// kernel: kernel.14.cloned.1.call-start
scs
__scs_entry_jumppad:
0x0: {  	(pc) =	sbr.rel $0x88, $3  }
0x1: {  	(tag) =	ssettag $0x0;
	lr =	simm.s32 $0x1  }
0x2: {  	[smem:$0x3F9C] =	sst lr;
	_ =	strace $0xD0000000  }
0x3: {  	_ = 	snop  }
0x4: {  	_ = 	snop  }
0x5: {  	_ = 	snop  }
0x6: {  	_ = 	snop  }
0x7: {  	_ = 	snop  }
__scs_overlays_trampoline_lowered:
0x8: {  	[smem:$0x3FAB] =	sst s0  }
0x9: {  	[smem:$0x3FAC] =	sst s1  }
0xa: {  	[smem:$0x3FAD] =	sst s2  }
0xb: {  	[smem:$0x3FAE] =	sst s3  }
0xc: {  	[smem:$0x3FAF] =	sst s4  }
0xd: {  	[smem:$0x3FB0] =	sst s5  }
0xe: {  	[smem:$0x3FB1] =	sst s6  }
0xf: {  	[smem:$0x3FB2] =	sst s7  }
0x10: {  	[smem:$0x3FB3] =	sst s8  }
0x11: {  	[smem:$0x3FB4] =	sst s9;
	s0 =	simm.s32 @!p0 $0x0  }
0x12: {  	s1 =	sld [smem:$0x3F9A];
	s0 =	simm.s32 @p0 $0x1  }
0x13: {  	[smem:$0x3FB5] =	sst s0;
	s0 =	simm.s32 @!p1 $0x0  }
0x14: {  	s2 =	sld [smem:$0x3F99];
	s0 =	simm.s32 @p1 $0x1  }
0x15: {  	[smem:$0x3FB6] =	sst s0;
	s0 =	simm.s32 @!p2 $0x0  }
0x16: {  	s3 =	sld [smem:$0x3FDB];
	s0 =	simm.s32 @p2 $0x1  }
0x17: {  	s4 =	simm.s32 $0x1BF5;
	[smem:$0x3FB8] =	sst s0  }
0x18: {  	s0 =	sld [smem:$0x3F9B];
	_ =	swait.ge [sflag:s4], $0x0  }
0x19: {  	s7 =	sld [smem:$0x3F9C]  }
0x1a: {  	s8 =	sadd.s32 $0xFFFFE003, lr  }
0x1b: {  	s9 =	sadd.s32 $0xFFFFFEF7, lr;
	s5 =	simm.s32 $0xFFFFFFFF;
	p2 =	slt.u32 s8, $0xFFFFF086  }
0x1c: {  	p1 =	slt.u32 s9, $0xF7A;
	s5 =	simm.s32 @!p2 $0x0  }
0x1d: {  	s5 =	simm.s32 @p1 $0x1;
	p0 =	seq.s32 s7, s2  }
0x1e: {  	s7 =	smul.u32 @!p0 $0xF7A, s2;
	p2 =	seq.s32 @!p0 s5, $0x0  }
0x1f: {  	s9 =	smul.u32 $0xF7A, s1;
	s8 =	simm.s32 @!p0 $0x1BF5;
	p2 =	por !p2, p0  }
0x20: {  	[sflag:s8] =	ssyncset.s32 @!p0 $0xFFFFF086;
	s6 =	sadd.s32 @!p0 s3, s7;
	s7 =	simm.s32 @!p0 $0x108  }
0x21: {  	s3 =	sadd.s32 s3, s9;
	s6 =	sadd.s32 @!p0 $0x88, s6;
	s7 =	simm.s32 @p2 $0x1082  }
0x22: {  	[simem:s7], [sflag:s8] =	dma.local @!p0 [hbm:s6], $0xF7A  }
0x23: {  	s9 =	sor.u32 $0xD0000000, s2;
	s6 =	simm.s32 $0x108;
	_ =	swait.ge @!p0 [sflag:s8], $0x0  }
0x24: {  	s3 =	sadd.s32 $0x88, s3;
	s6 =	simm.s32 @!p1 $0x1082;
	[sflag:s4] =	ssyncset.s32 $0xFFFFF086  }
0x25: {  	[simem:s6], [sflag:s4] =	dma.local [hbm:s3], $0xF7A  }
0x26: {  	[smem:$0x3F9C] =	sst s1;
	(tag) =	ssettag s2;
	_ =	strace s9  }
0x27: {  	s1 =	sld [smem:$0x3FAC]  }
0x28: {  	s2 =	sld [smem:$0x3FAD]  }
0x29: {  	s4 =	sld [smem:$0x3FAF]  }
0x2a: {  	p0 =	seq.s32 s5, $0x0;
	s5 =	sld [smem:$0x3FB0]  }
0x2b: {  	s6 =	sld [smem:$0x3FB1]  }
0x2c: {  	s7 =	sld [smem:$0x3FB2]  }
0x2d: {  	s3 =	simm.s32 $0x108;
	s8 =	sld [smem:$0x3FB3]  }
0x2e: {  	s3 =	simm.s32 @!p0 $0x1082;
	s9 =	sld [smem:$0x3FB4]  }
0x2f: {  	lr =	sadd.s32 s0, s3;
	s0 =	sld [smem:$0x3FAB]  }
0x30: {  	s3 =	sld [smem:$0x3FAE]  }
0x31: {  	[smem:$0x3FB7] =	sst s10  }
0x32: {  	s10 =	sld [smem:$0x3FB5];
	_ =	sdelay $0x3  }
0x33: {  	p0 =	seq.s32 s10, $0x1;
	s10 =	sld [smem:$0x3FB7];
	_ =	sdelay $0x3  }
0x34: {  	[smem:$0x3FB7] =	sst s10  }
0x35: {  	s10 =	sld [smem:$0x3FB6];
	_ =	sdelay $0x3  }
0x36: {  	p1 =	seq.s32 s10, $0x1;
	s10 =	sld [smem:$0x3FB7];
	_ =	sdelay $0x3  }
0x37: {  	[smem:$0x3FB7] =	sst s10  }
0x38: {  	s10 =	sld [smem:$0x3FB8]  }
0x39: {  	_ = 	snop;
	(pc) =	sbr.ind lr, $3  }
0x3a: {  	_ = 	snop  }
0x3b: {  	_ = 	snop  }
0x3c: {  	p2 =	seq.s32 s10, $0x1;
	s10 =	sld [smem:$0x3FB7]  }
0x3d: {  	_ =	shalt  }
0x3e: {  	_ =	shalt  }
0x3f: {  	_ =	shalt  }
0x40: {  	_ =	shalt  }
0x41: {  	_ =	shalt  }
0x42: {  	_ =	shalt  }
0x43: {  	_ =	shalt  }
0x44: {  	_ =	shalt  }
0x45: {  	_ =	shalt  }
0x46: {  	_ =	shalt  }
0x47: {  	_ =	shalt  }
0x48: {  	_ =	shalt  }
0x49: {  	_ =	shalt  }
0x4a: {  	_ =	shalt  }
0x4b: {  	_ =	shalt  }
0x4c: {  	_ =	shalt  }
0x4d: {  	_ =	shalt  }
0x4e: {  	_ =	shalt  }
0x4f: {  	_ =	shalt  }
0x50: {  	_ =	shalt  }
0x51: {  	_ =	shalt  }
0x52: {  	_ =	shalt  }
0x53: {  	_ =	shalt  }
0x54: {  	_ =	shalt  }
0x55: {  	_ =	shalt  }
0x56: {  	_ =	shalt  }
0x57: {  	_ =	shalt  }
0x58: {  	_ =	shalt  }
0x59: {  	_ =	shalt  }
0x5a: {  	_ =	shalt  }
0x5b: {  	_ =	shalt  }
0x5c: {  	_ =	shalt  }
0x5d: {  	_ =	shalt  }
0x5e: {  	_ =	shalt  }
0x5f: {  	_ =	shalt  }
0x60: {  	_ =	shalt  }
0x61: {  	_ =	shalt  }
0x62: {  	_ =	shalt  }
0x63: {  	_ =	shalt  }
0x64: {  	_ =	shalt  }
0x65: {  	_ =	shalt  }
0x66: {  	_ =	shalt  }
0x67: {  	_ =	shalt  }
0x68: {  	_ =	shalt  }
0x69: {  	_ =	shalt  }
0x6a: {  	_ =	shalt  }
0x6b: {  	_ =	shalt  }
0x6c: {  	_ =	shalt  }
0x6d: {  	_ =	shalt  }
0x6e: {  	_ =	shalt  }
0x6f: {  	_ =	shalt  }
0x70: {  	_ =	shalt  }
0x71: {  	_ =	shalt  }
0x72: {  	_ =	shalt  }
0x73: {  	_ =	shalt  }
0x74: {  	_ =	shalt  }
0x75: {  	_ =	shalt  }
0x76: {  	_ =	shalt  }
0x77: {  	_ =	shalt  }
0x78: {  	_ =	shalt  }
0x79: {  	_ =	shalt  }
0x7a: {  	_ =	shalt  }
0x7b: {  	_ =	shalt  }
0x7c: {  	_ =	shalt  }
0x7d: {  	_ =	shalt  }
0x7e: {  	_ =	shalt  }
0x7f: {  	_ =	shalt  }
0x80: {  	_ =	shalt  }
0x81: {  	_ =	shalt  }
0x82: {  	_ =	shalt  }
0x83: {  	_ =	shalt  }
0x84: {  	_ =	shalt  }
0x85: {  	_ =	shalt  }
0x86: {  	_ =	shalt  }
0x87: {  	_ =	shalt  }
.Lfunc_end0:
.L_simem_size_0:
called_computation.2_lowered:
.L_overlay_start_0:
0x88: {  	s2 =	sld [smem:$0x3FD9]  }
0x89: {  	s3 =	sld [smem:$0x3FFE];
	_ =	sdelay $0x1  }
0x8a: {  	s1 =	srdreg.scid  }
0x8b: {  	s0 =	sand.u32 $0x1, s1  }
0x8c: {  	s17 =	sshll.u32 s0, $0xA;
	s2 =	sadd.s32 s3, s2  }
0x8d: {  	s2 =	sadd.s32 s2, s17  }
0x8e: {  	[smem:$0x3FC3] =	sst s2  }
0x8f: {  	_ = 	snop  }
0x90: {  	s2 =	sld [smem:$0x3FD0];
	(tm) =	ssettm $0x1  }
0x91: {  	s18 =	sld [smem:$0x3FFB];
	_ =	sdelay $0x3  }
0x92: {  	_ =	strace s18  }
0x93: {  	s3 =	sld [smem:$0x3FFC];
	_ =	sdelay $0x3  }
0x94: {  	_ =	strace s3  }
0x95: {  	s3 =	sld [smem:$0x3FFD];
	_ =	sdelay $0x3  }
0x96: {  	_ =	strace s3  }
0x97: {  	_ =	strace $0x8FFFFFFF  }
0x98: {  	s19 =	sld [smem:$0x3FDB];
	_ =	sdelay $0x1  }
0x99: {  	s4 =	simm.s32 $_scs_section_size  }
0x9a: {  	s5 =	simm.s32 $_size__tile_overlayer_lowered;
	s6 =	simm.s32 $_tile_overlayer_lowered  }
0x9b: {  	s22 =	simm.s32 $0x1BFF;
	s21 =	sshll.u32 s6, $0x1;
	s3 =	sadd.s32 s4, s19  }
0x9c: {  	s7 =	simm.s32 $0x0;
	s20 =	sshll.u32 s5, $0x1;
	s5 =	sadd.s32 s21, s3  }
0x9d: {  	[timem:s7], [sflag:s22] =	dma.local [hbm:s5], s20  }
0x9e: {  	_ =	swait.ge [sflag:s22], s20  }
0x9f: {  	s4 =	ssub.s32 $0x0, s20;
	[sflag:s22] =	ssyncset.done $0x0  }
0xa0: {  	[sflag:s22] =	ssyncadd.s32 s4;
	_ =	sdelay $0x1  }
0xa1: {  	s23 =	simm.s32 $0x1B8B  }
0xa2: {  	_ =	swait.ge [sflag:s23], $0x1  }
0xa3: {  	[sflag:s23] =	ssyncset.done $0x0  }
0xa4: {  	s25 =	simm.s32 $0x1B8E;
	s24 =	sld [smem:$0x3FFE];
	[sflag:s23] =	ssyncadd.s32 $0xFFFFFFFF  }
0xa5: {  	s26 =	simm.s32 $execute0_lowered;
	[smem:$0x3FD2] =	sst s25  }
0xa6: {  	s5 =	sshll.u32 s26, $0x1;
	_ =	strace $0x8000004C;
	[dreg:$0x1] =	wrdreg $0xFFFFFFFF  }
0xa7: {  	s28 =	simm.s32 $_size_execute0_lowered;
	s3 =	sadd.s32 s3, s5;
	[dreg:$0x0] =	wrdreg $0x0  }
0xa8: {  	s5 =	sshll.u32 s28, $0x1;
	[dreg:$0x2] =	wrdreg s3  }
0xa9: {  	[dreg:$0x3] =	wrdreg s5  }
0xaa: {  	[dreg:$0x4] =	wrdreg $0xC0  }
0xab: {  	_ =	task [dreg:s7], $0x5FFFF  }
0xac: {  	[dreg:$0x1] =	wrdreg $0xFFFFFFFF  }
0xad: {  	[dreg:$0x0] =	wrdreg $0x60  }
0xae: {  	[dreg:$0x2] =	wrdreg s24  }
0xaf: {  	[dreg:$0x3] =	wrdreg s2  }
0xb0: {  	[dreg:$0x4] =	wrdreg $0x82000  }
0xb1: {  	[dreg:$0x5] =	wrdreg $0x9  }
0xb2: {  	_ =	task.clear_ibuf [dreg:s7], $0x6FFFF;
	_ =	strace $0x9000004C  }
0xb3: {  	s29 =	simm.s32 $0x9;
	_ =	strace $0x8000004E  }
0xb4: {  	_ =	swait.ge [sflag:s29], $0x1  }
0xb5: {  	[sflag:s29] =	ssyncadd.s32 $0xFFFFFFFF  }
0xb6: {  	_ =	strace $0x9000004E  }
0xb7: {  	_ =	sfence  }
0xb8: {  	s30 =	sld [smem:$0x0];
	_ =	sdelay $0x2  }
0xb9: {  	s31 =	sshll.u32 s1, $0xD;
	s1 =	sshrl.u32 s1, $0x2  }
0xba: {  	s3 =	sand.u32 $0x4000, s31;
	s1 =	sadd.s32 s1, s30  }
0xbb: {  	s0 =	sor.u32 s3, s0;
	s1 =	sshll.u32 s1, $0x11  }
0xbc: {  	s0 =	sor.u32 s1, s0  }
0xbd: {  	s0 =	sadd.s32 $0x8F2B, s0  }
0xbe: {  	[sflag:s0] =	ssyncadd.remote.s32 $0x1  }
0xbf: {  	_ =	sfence.sel $0xFFFF  }
0xc0: {  	[dreg:$0x0] =	wrdreg $0xFFFFFFFF;
	(pc) =	sbr.abs _section_cstart, $3  }
0xc1: {  	[dreg:$0x1] =	wrdreg $0xFFFFFFFF  }
0xc2: {  	_ =	task.clear_ibuf [dreg:s7], $0x2FFFF;
	_ =	strace $0x9FFFFFFF  }
0xc3: {  	(tm) =	ssettm $0x7FFFFFFF  }
tec
execute0_lowered:
.L_overlay_start_1:
0x0: {  	(tag) =	ssettag $0x1  }
0x1: {  	s1 =	srdreg.scid  }
0x2: {  	s1 =	sand.u32 $0x1, s1  }
0x3: {  	p0 =	seq.s32 s1, $0x1  }
.Ltmp0:
0x4: {  	s14 =	rddreg [dreg:$0x0];
	(pc) =	sbr.rel @p0 .LBB2_5-.Ltmp0, $4  }
0x5: {  	s13 =	rddreg [dreg:$0x1]  }
0x6: {  	s2 =	rddreg [dreg:$0x2];
	s3 =	simm.s32 $0x0  }
0x7: {  	[smem:$0x7FF] =	sst s3  }
0x8: {  	s0 =	rddreg [dreg:$0x3];
	_ =	strace $0x8000004D;
	s1 =	stileid.u32  }
0x9: {  	s4 =	smul.u32 $0x4F000, s1;
	_ =	sdelay $0x1  }
0xa: {  	s17 =	smul.u32 $0x2780, s1;
	s6 =	sadd.s32 $0x1A00, s14;
	s4 =	sshrl.u32 s4, $0x2  }
0xb: {  	s23 =	sshll.u32 s1, $0x6;
	s24 =	simm.s32 $0x5;
	s5 =	sadd.s32 s4, s2  }
0xc: {  	s7 =	sadd.s32 s6, s17;
	s4 =	sor.u32 $0x1C05, s23;
	s5 =	sshrl.u32 s5, $0x3  }
0xd: {  	[spmem:s5], [sflag:s4] =	dma.local [hbm:s7], $0x2780  }
0xe: {  	s19 =	smul.u32 $0x4F00, s1;
	_ =	swait.ge [sflag:s24], $0x2780  }
0xf: {  	[sflag:s24] =	ssyncset.done $0x0  }
0x10: {  	s18 =	sadd.s32 $0x7B800, s14;
	s15 =	sshrl.u32 s19, $0x3;
	[sflag:s24] =	ssyncadd.s32 $0xFFFFD880  }
0x11: {  	s25 =	sadd.s32 s18, s15;
	[bflag:$0x0] =	sbarrier.arrive $0xFFFF  }
0x12: {  	[tilespmem:s3], [sflag:$0x1] =	stream.linear.gather [hbm4b:s25+s3], $0x80, $0x38;
	[tilespmem:$0x1BE00] =	vst v63  }
0x13: {  	s8 =	sadd.s32 $0x10, s25;
	s7 =	simm.s32 $0x80  }
0x14: {  	[tilespmem:s7], [sflag:$0x1] =	stream.linear.gather [hbm4b:s8+s3], $0x80, $0x38;
	[tilespmem:$0x1BE00] =	vst v63  }
0x15: {  	s9 =	sadd.s32 s13, s15;
	s8 =	simm.s32 $0x100  }
0x16: {  	[tilespmem:s8], [sflag:$0x2] =	stream.linear.gather [hbm4b:s9+s3], $0x80, $0x38;
	[tilespmem:$0x1BE00] =	vst v63  }
0x17: {  	s9 =	simm.s32 $0x1  }
0x18: {  	_ =	swait.ge [sflag:s9], $0x80  }
0x19: {  	[sflag:s9] =	ssyncset.done $0x0  }
0x1a: {  	s10 =	simm.s32 $0x200;
	s11 =	simm.s32 $0x3;
	[sflag:s9] =	ssyncadd.s32 $0xFFFFFF80  }
0x1b: {  	[tilespmem:s10], [sflag:$0x3] =	stream.indirect.gather [hbm4b:s6+s7], $0x80, s3, s7, $0xb8;
	[tilespmem:$0x1BE00] =	vst v63  }
0x1c: {  	_ =	swait.ge [sflag:s11], $0x4000  }
0x1d: {  	[sflag:s11] =	ssyncset.done $0x0  }
0x1e: {  	s12 =	simm.s32 $0x2;
	[sflag:s11] =	ssyncadd.s32 $0xFFFFC000  }
0x1f: {  	_ =	swait.ge [sflag:s12], $0x80  }
0x20: {  	[sflag:s12] =	ssyncset.done $0x0  }
0x21: {  	s16 =	sor.u32 $0x80, s19;
	s20 =	sadd.s32 $0x20, s15;
	[sflag:s12] =	ssyncadd.s32 $0xFFFFFF80  }
0x22: {  	[spmem:s2] =	stream.indirect.scatter.add.f32 [tilespmem:s10], [sflag:$0x4], $0x80, s8, s7, $0xb8;
	[tilespmem:$0x1BE00] =	vst v63  }
0x23: {  	s26 =	sshrl.u32 s16, $0x3;
	s28 =	sadd.s32 s18, s20  }
0x24: {  	[tilespmem:s3], [sflag:$0x1] =	stream.linear.gather [hbm4b:s28+s3], $0x80, $0x38;
	[tilespmem:$0x1BE00] =	vst v63  }
0x25: {  	s15 =	simm.s32 $0x180;
	s29 =	sadd.s32 s13, s26  }
0x26: {  	[tilespmem:s15], [sflag:$0x2] =	stream.linear.gather [hbm4b:s29+s3], $0x80, $0x38;
	[tilespmem:$0x1BE00] =	vst v63  }
0x27: {  	_ =	swait.ge [sflag:s9], $0x80  }
0x28: {  	[sflag:s9] =	ssyncset.done $0x0  }
0x29: {  	s16 =	simm.s32 $0x4200;
	[sflag:s9] =	ssyncadd.s32 $0xFFFFFF80  }
0x2a: {  	[tilespmem:s16], [sflag:$0x3] =	stream.indirect.gather [hbm4b:s6+s7], $0x80, s7, s7, $0xb8;
	[tilespmem:$0x1BE00] =	vst v63  }
0x2b: {  	_ =	swait.ge [sflag:s11], $0x4000  }
0x2c: {  	[sflag:s11] =	ssyncset.done $0x0  }
0x2d: {  	[sflag:s11] =	ssyncadd.s32 $0xFFFFC000  }
0x2e: {  	_ =	swait.ge [sflag:s12], $0x80  }
0x2f: {  	s19 =	sadd.s32 $0x180, s19;
	[sflag:s12] =	ssyncset.done $0x0  }
0x30: {  	s19 =	sshrl.u32 s19, $0x3;
	[sflag:s12] =	ssyncadd.s32 $0xFFFFFF80  }
0x31: {  	[spmem:s2] =	stream.indirect.scatter.add.f32 [tilespmem:s16], [sflag:$0x4], $0x80, s15, s7, $0xb8;
	[tilespmem:$0x1BE00] =	vst v63  }
0x32: {  	s19 =	sadd.s32 s18, s19  }
0x33: {  	[tilespmem:s7], [sflag:$0x1] =	stream.linear.gather [hbm4b:s19+s3], $0x80, $0x38;
	[tilespmem:$0x1BE00] =	vst v63  }
0x34: {  	s19 =	simm.s32 $0x4  }
0x35: {  	_ =	swait.ge [sflag:s19], $0x4000  }
0x36: {  	[sflag:s19] =	ssyncset.done $0x0  }
0x37: {  	s31 =	smul.u32 $0x9E0, s1;
	s20 =	sadd.s32 s13, s20;
	[sflag:s19] =	ssyncadd.s32 $0xFFFFC000  }
0x38: {  	[tilespmem:s8], [sflag:$0x2] =	stream.linear.gather [hbm4b:s20+s3], $0x80, $0x38;
	[tilespmem:$0x1BE00] =	vst v63  }
0x39: {  	s30 =	sadd.s32 s17, s14;
	_ =	swait.ge [sflag:s9], $0x80  }
0x3a: {  	s17 =	sadd.s32 s31, s18;
	s14 =	sadd.s32 $0x29200, s30;
	[sflag:s9] =	ssyncset.done $0x0  }
0x3b: {  	s13 =	sadd.s32 s31, s13;
	s18 =	simm.s32 $0xFFFFF660;
	[sflag:s9] =	ssyncadd.s32 $0xFFFFFF80  }
0x3c: {  	[tilespmem:s10], [sflag:$0x3] =	stream.indirect.gather [hbm4b:s6+s7], $0x80, s3, s7, $0xb8;
	[tilespmem:$0x1BE00] =	vst v63  }
.LBB2_2:
0x3d: {  	_ =	swait.ge [sflag:s11], $0x4000  }
0x3e: {  	[sflag:s11] =	ssyncset.done $0x0  }
0x3f: {  	[sflag:s11] =	ssyncadd.s32 $0xFFFFC000  }
0x40: {  	_ =	swait.ge [sflag:s12], $0x80  }
0x41: {  	p0 =	seq.s32 s18, $0x0;
	[sflag:s12] =	ssyncset.done $0x0  }
0x42: {  	s20 =	sadd.s32 @!p0 s18, s17;
	[sflag:s12] =	ssyncadd.s32 $0xFFFFFF80  }
0x43: {  	[spmem:s2] =	stream.indirect.scatter.add.f32 [tilespmem:s10], [sflag:$0x4], $0x80, s8, s7, $0xb8;
	[tilespmem:$0x1BE00] =	vst v63  }
0x44: {  	s21 =	simm.s32 @!p0 $0x0;
	s20 =	sadd.s32 @!p0 $0x9E0, s20  }
0x45: {  	[tilespmem:s21], [sflag:$0x1] =	stream.linear.gather @!p0 [hbm4b:s20+s21], $0x80, $0x38;
	[tilespmem:$0x1BE00] =	vst v63  }
0x46: {  	_ =	swait.ge [sflag:s19], $0x4000  }
0x47: {  	s20 =	sadd.s32 s18, s13;
	[sflag:s19] =	ssyncset.done $0x0  }
0x48: {  	s31 =	sadd.s32 $0x9D0, s20;
	[sflag:s19] =	ssyncadd.s32 $0xFFFFC000  }
0x49: {  	[tilespmem:s15], [sflag:$0x2] =	stream.linear.gather [hbm4b:s31+s3], $0x80, $0x38;
	[tilespmem:$0x1BE00] =	vst v63  }
0x4a: {  	_ =	swait.ge [sflag:s9], $0x80  }
0x4b: {  	[sflag:s9] =	ssyncset.done $0x0  }
0x4c: {  	[sflag:s9] =	ssyncadd.s32 $0xFFFFFF80  }
0x4d: {  	[tilespmem:s16], [sflag:$0x3] =	stream.indirect.gather [hbm4b:s6+s7], $0x80, s7, s7, $0xb8;
	[tilespmem:$0x1BE00] =	vst v63  }
0x4e: {  	_ =	swait.ge [sflag:s11], $0x4000  }
0x4f: {  	[sflag:s11] =	ssyncset.done $0x0  }
.Ltmp1:
0x50: {  	[sflag:s11] =	ssyncadd.s32 $0xFFFFC000;
	(pc) =	sbr.rel @p0 .LBB2_4-.Ltmp1, $4  }
0x51: {  	_ =	swait.ge [sflag:s12], $0x80  }
0x52: {  	[sflag:s12] =	ssyncset.done $0x0  }
0x53: {  	[sflag:s12] =	ssyncadd.s32 $0xFFFFFF80  }
0x54: {  	[spmem:s2] =	stream.indirect.scatter.add.f32 [tilespmem:s16], [sflag:$0x4], $0x80, s15, s7, $0xb8;
	[tilespmem:$0x1BE00] =	vst v63  }
0x55: {  	s21 =	sadd.s32 s18, s17  }
0x56: {  	s21 =	sadd.s32 $0x9F0, s21  }
0x57: {  	[tilespmem:s7], [sflag:$0x1] =	stream.linear.gather [hbm4b:s21+s3], $0x80, $0x38;
	[tilespmem:$0x1BE00] =	vst v63  }
0x58: {  	_ =	swait.ge [sflag:s19], $0x4000  }
0x59: {  	[sflag:s19] =	ssyncset.done $0x0  }
0x5a: {  	s20 =	sadd.s32 $0x9E0, s20;
	[sflag:s19] =	ssyncadd.s32 $0xFFFFC000  }
0x5b: {  	[tilespmem:s8], [sflag:$0x2] =	stream.linear.gather [hbm4b:s20+s3], $0x80, $0x38;
	[tilespmem:$0x1BE00] =	vst v63  }
.Ltmp2:
0x5c: {  	_ = 	snop;
	(pc) =	sbr.rel .LBB2_2-.Ltmp2, $4  }
0x5d: {  	_ =	swait.ge [sflag:s9], $0x80  }
0x5e: {  	[sflag:s9] =	ssyncset.done $0x0  }
0x5f: {  	s18 =	sadd.s32 $0x20, s18;
	[sflag:s9] =	ssyncadd.s32 $0xFFFFFF80  }
0x60: {  	[tilespmem:s10], [sflag:$0x3] =	stream.indirect.gather [hbm4b:s6+s7], $0x80, s3, s7, $0xb8;
	[tilespmem:$0x1BE00] =	vst v63  }
.LBB2_4:
0x61: {  	s2 =	simm.s32 $0x4  }
0x62: {  	_ =	swait.ge [sflag:s2], $0x4000  }
0x63: {  	[sflag:s2] =	ssyncset.done $0x0  }
0x64: {  	[sflag:s2] =	ssyncadd.s32 $0xFFFFC000  }
0x65: {  	_ =	swait.ge [sflag:s2], $0x4000  }
0x66: {  	[sflag:s2] =	ssyncset.done $0x0  }
0x67: {  	[sflag:s2] =	ssyncadd.s32 $0xFFFFC000  }
0x68: {  	s31 =	simm.s32 $0x5;
	[bflag:$0x0] =	sbarrier.arrive $0xFFFF  }
0x69: {  	[hbm:s14], [sflag:s4] =	dma.local [spmem:s5], $0x2780  }
0x6a: {  	_ =	swait.ge [sflag:s31], $0x2780  }
0x6b: {  	[sflag:s31] =	ssyncset.done $0x0  }
0x6c: {  	[sflag:s31] =	ssyncadd.s32 $0xFFFFD880  }
.LBB2_5:
0x6d: {  	_ =	sfence.sel $0x180000  }
0x6e: {  	[bflag:$0x0] =	sbarrier.arrive $0xFFFF  }
0x6f: {  	p0 =	sne.s32 s1, $0x0;
	_ =	strace $0x9000004D  }
0x70: {  	s0 =	sadd.s32 @!p0 $0x100000, s0;
	[bflag:$0x2] =	sbarrier.arrive $0xFFFF  }
0x71: {  	[sflag:s0] =	ssyncadd.tile.s32 @!p0 $0x1;
	_ =	shalt  }
.Lfunc_end2:
_tile_overlayer_lowered:
.L_overlay_start_2:
0x72: {  	(tag) =	ssettag $0x2  }
0x73: {  	s0 =	rddreg [dreg:$0x0];
	s2 =	stileid.u32  }
0x74: {  	s1 =	rddreg [dreg:$0x1];
	p0 =	sne.s32 s2, $0x0  }
0x75: {  	s3 =	rddreg [dreg:$0x2];
	[bflag:$0x3] =	sbarrier.arrive $0xFFFF;
	s2 =	simm.s32 @!p0 $0x1C05  }
0x76: {  	[timem:s3], [sflag:s2] =	dma.local @!p0 [hbm:s0], s1  }
0x77: {  	s0 =	simm.s32 @!p0 $0x5  }
0x78: {  	_ =	swait.ge @!p0 [sflag:s0], s1  }
0x79: {  	s1 =	ssub.s32 @!p0 $0x0, s1;
	[sflag:s0] =	ssyncset.done @!p0 $0x0  }
0x7a: {  	[sflag:s0] =	ssyncadd.s32 @!p0 s1  }
0x7b: {  	[bflag:$0x3] =	sbarrier.arrive $0xFFFF  }
0x7c: {  	_ =	shalt  }

// kernel: kernel.8.cloned.1.call-start
scs
__scs_entry_jumppad:
0x0: {  	(pc) =	sbr.rel $0x88, $3  }
0x1: {  	(tag) =	ssettag $0x0;
	lr =	simm.s32 $0x1  }
0x2: {  	[smem:$0x3F9C] =	sst lr;
	_ =	strace $0xD0000000  }
0x3: {  	_ = 	snop  }
0x4: {  	_ = 	snop  }
0x5: {  	_ = 	snop  }
0x6: {  	_ = 	snop  }
0x7: {  	_ = 	snop  }
__scs_overlays_trampoline_lowered:
0x8: {  	[smem:$0x3FAB] =	sst s0  }
0x9: {  	[smem:$0x3FAC] =	sst s1  }
0xa: {  	[smem:$0x3FAD] =	sst s2  }
0xb: {  	[smem:$0x3FAE] =	sst s3  }
0xc: {  	[smem:$0x3FAF] =	sst s4  }
0xd: {  	[smem:$0x3FB0] =	sst s5  }
0xe: {  	[smem:$0x3FB1] =	sst s6  }
0xf: {  	[smem:$0x3FB2] =	sst s7  }
0x10: {  	[smem:$0x3FB3] =	sst s8  }
0x11: {  	[smem:$0x3FB4] =	sst s9;
	s0 =	simm.s32 @!p0 $0x0  }
0x12: {  	s1 =	sld [smem:$0x3F9A];
	s0 =	simm.s32 @p0 $0x1  }
0x13: {  	[smem:$0x3FB5] =	sst s0;
	s0 =	simm.s32 @!p1 $0x0  }
0x14: {  	s2 =	sld [smem:$0x3F99];
	s0 =	simm.s32 @p1 $0x1  }
0x15: {  	[smem:$0x3FB6] =	sst s0;
	s0 =	simm.s32 @!p2 $0x0  }
0x16: {  	s3 =	sld [smem:$0x3FDB];
	s0 =	simm.s32 @p2 $0x1  }
0x17: {  	s4 =	simm.s32 $0x1BF5;
	[smem:$0x3FB8] =	sst s0  }
0x18: {  	s0 =	sld [smem:$0x3F9B];
	_ =	swait.ge [sflag:s4], $0x0  }
0x19: {  	s7 =	sld [smem:$0x3F9C]  }
0x1a: {  	s8 =	sadd.s32 $0xFFFFE003, lr  }
0x1b: {  	s9 =	sadd.s32 $0xFFFFFEF7, lr;
	s5 =	simm.s32 $0xFFFFFFFF;
	p2 =	slt.u32 s8, $0xFFFFF086  }
0x1c: {  	p1 =	slt.u32 s9, $0xF7A;
	s5 =	simm.s32 @!p2 $0x0  }
0x1d: {  	s5 =	simm.s32 @p1 $0x1;
	p0 =	seq.s32 s7, s2  }
0x1e: {  	s7 =	smul.u32 @!p0 $0xF7A, s2;
	p2 =	seq.s32 @!p0 s5, $0x0  }
0x1f: {  	s9 =	smul.u32 $0xF7A, s1;
	s8 =	simm.s32 @!p0 $0x1BF5;
	p2 =	por !p2, p0  }
0x20: {  	[sflag:s8] =	ssyncset.s32 @!p0 $0xFFFFF086;
	s6 =	sadd.s32 @!p0 s3, s7;
	s7 =	simm.s32 @!p0 $0x108  }
0x21: {  	s3 =	sadd.s32 s3, s9;
	s6 =	sadd.s32 @!p0 $0x88, s6;
	s7 =	simm.s32 @p2 $0x1082  }
0x22: {  	[simem:s7], [sflag:s8] =	dma.local @!p0 [hbm:s6], $0xF7A  }
0x23: {  	s9 =	sor.u32 $0xD0000000, s2;
	s6 =	simm.s32 $0x108;
	_ =	swait.ge @!p0 [sflag:s8], $0x0  }
0x24: {  	s3 =	sadd.s32 $0x88, s3;
	s6 =	simm.s32 @!p1 $0x1082;
	[sflag:s4] =	ssyncset.s32 $0xFFFFF086  }
0x25: {  	[simem:s6], [sflag:s4] =	dma.local [hbm:s3], $0xF7A  }
0x26: {  	[smem:$0x3F9C] =	sst s1;
	(tag) =	ssettag s2;
	_ =	strace s9  }
0x27: {  	s1 =	sld [smem:$0x3FAC]  }
0x28: {  	s2 =	sld [smem:$0x3FAD]  }
0x29: {  	s4 =	sld [smem:$0x3FAF]  }
0x2a: {  	p0 =	seq.s32 s5, $0x0;
	s5 =	sld [smem:$0x3FB0]  }
0x2b: {  	s6 =	sld [smem:$0x3FB1]  }
0x2c: {  	s7 =	sld [smem:$0x3FB2]  }
0x2d: {  	s3 =	simm.s32 $0x108;
	s8 =	sld [smem:$0x3FB3]  }
0x2e: {  	s3 =	simm.s32 @!p0 $0x1082;
	s9 =	sld [smem:$0x3FB4]  }
0x2f: {  	lr =	sadd.s32 s0, s3;
	s0 =	sld [smem:$0x3FAB]  }
0x30: {  	s3 =	sld [smem:$0x3FAE]  }
0x31: {  	[smem:$0x3FB7] =	sst s10  }
0x32: {  	s10 =	sld [smem:$0x3FB5];
	_ =	sdelay $0x3  }
0x33: {  	p0 =	seq.s32 s10, $0x1;
	s10 =	sld [smem:$0x3FB7];
	_ =	sdelay $0x3  }
0x34: {  	[smem:$0x3FB7] =	sst s10  }
0x35: {  	s10 =	sld [smem:$0x3FB6];
	_ =	sdelay $0x3  }
0x36: {  	p1 =	seq.s32 s10, $0x1;
	s10 =	sld [smem:$0x3FB7];
	_ =	sdelay $0x3  }
0x37: {  	[smem:$0x3FB7] =	sst s10  }
0x38: {  	s10 =	sld [smem:$0x3FB8]  }
0x39: {  	_ = 	snop;
	(pc) =	sbr.ind lr, $3  }
0x3a: {  	_ = 	snop  }
0x3b: {  	_ = 	snop  }
0x3c: {  	p2 =	seq.s32 s10, $0x1;
	s10 =	sld [smem:$0x3FB7]  }
0x3d: {  	_ =	shalt  }
0x3e: {  	_ =	shalt  }
0x3f: {  	_ =	shalt  }
0x40: {  	_ =	shalt  }
0x41: {  	_ =	shalt  }
0x42: {  	_ =	shalt  }
0x43: {  	_ =	shalt  }
0x44: {  	_ =	shalt  }
0x45: {  	_ =	shalt  }
0x46: {  	_ =	shalt  }
0x47: {  	_ =	shalt  }
0x48: {  	_ =	shalt  }
0x49: {  	_ =	shalt  }
0x4a: {  	_ =	shalt  }
0x4b: {  	_ =	shalt  }
0x4c: {  	_ =	shalt  }
0x4d: {  	_ =	shalt  }
0x4e: {  	_ =	shalt  }
0x4f: {  	_ =	shalt  }
0x50: {  	_ =	shalt  }
0x51: {  	_ =	shalt  }
0x52: {  	_ =	shalt  }
0x53: {  	_ =	shalt  }
0x54: {  	_ =	shalt  }
0x55: {  	_ =	shalt  }
0x56: {  	_ =	shalt  }
0x57: {  	_ =	shalt  }
0x58: {  	_ =	shalt  }
0x59: {  	_ =	shalt  }
0x5a: {  	_ =	shalt  }
0x5b: {  	_ =	shalt  }
0x5c: {  	_ =	shalt  }
0x5d: {  	_ =	shalt  }
0x5e: {  	_ =	shalt  }
0x5f: {  	_ =	shalt  }
0x60: {  	_ =	shalt  }
0x61: {  	_ =	shalt  }
0x62: {  	_ =	shalt  }
0x63: {  	_ =	shalt  }
0x64: {  	_ =	shalt  }
0x65: {  	_ =	shalt  }
0x66: {  	_ =	shalt  }
0x67: {  	_ =	shalt  }
0x68: {  	_ =	shalt  }
0x69: {  	_ =	shalt  }
0x6a: {  	_ =	shalt  }
0x6b: {  	_ =	shalt  }
0x6c: {  	_ =	shalt  }
0x6d: {  	_ =	shalt  }
0x6e: {  	_ =	shalt  }
0x6f: {  	_ =	shalt  }
0x70: {  	_ =	shalt  }
0x71: {  	_ =	shalt  }
0x72: {  	_ =	shalt  }
0x73: {  	_ =	shalt  }
0x74: {  	_ =	shalt  }
0x75: {  	_ =	shalt  }
0x76: {  	_ =	shalt  }
0x77: {  	_ =	shalt  }
0x78: {  	_ =	shalt  }
0x79: {  	_ =	shalt  }
0x7a: {  	_ =	shalt  }
0x7b: {  	_ =	shalt  }
0x7c: {  	_ =	shalt  }
0x7d: {  	_ =	shalt  }
0x7e: {  	_ =	shalt  }
0x7f: {  	_ =	shalt  }
0x80: {  	_ =	shalt  }
0x81: {  	_ =	shalt  }
0x82: {  	_ =	shalt  }
0x83: {  	_ =	shalt  }
0x84: {  	_ =	shalt  }
0x85: {  	_ =	shalt  }
0x86: {  	_ =	shalt  }
0x87: {  	_ =	shalt  }
.Lfunc_end0:
.L_simem_size_0:
called_computation_lowered:
.L_overlay_start_0:
0x88: {  	s2 =	sld [smem:$0x3FD9]  }
0x89: {  	s3 =	sld [smem:$0x3FFE];
	_ =	sdelay $0x1  }
0x8a: {  	s1 =	srdreg.scid  }
0x8b: {  	s0 =	sand.u32 $0x1, s1  }
0x8c: {  	s17 =	sshll.u32 s0, $0xA;
	s2 =	sadd.s32 s3, s2  }
0x8d: {  	s2 =	sadd.s32 s2, s17  }
0x8e: {  	[smem:$0x3FC3] =	sst s2  }
0x8f: {  	_ = 	snop  }
0x90: {  	s2 =	sld [smem:$0x3FC7]  }
0x91: {  	s18 =	sld [smem:$0x3FD0];
	(tm) =	ssettm $0x1  }
0x92: {  	s4 =	sld [smem:$0x3FFB];
	_ =	sdelay $0x3  }
0x93: {  	_ =	strace s4  }
0x94: {  	s4 =	sld [smem:$0x3FFC];
	_ =	sdelay $0x3  }
0x95: {  	_ =	strace s4  }
0x96: {  	s4 =	sld [smem:$0x3FFD];
	_ =	sdelay $0x3  }
0x97: {  	_ =	strace s4  }
0x98: {  	_ =	strace $0x8FFFFFFF  }
0x99: {  	s19 =	sld [smem:$0x3FDB];
	_ =	sdelay $0x1  }
0x9a: {  	s5 =	simm.s32 $_scs_section_size  }
0x9b: {  	s6 =	simm.s32 $_size__tile_overlayer_lowered;
	s7 =	simm.s32 $_tile_overlayer_lowered  }
0x9c: {  	s22 =	simm.s32 $0x1BFF;
	s21 =	sshll.u32 s7, $0x1;
	s4 =	sadd.s32 s5, s19  }
0x9d: {  	s8 =	simm.s32 $0x0;
	s20 =	sshll.u32 s6, $0x1;
	s6 =	sadd.s32 s21, s4  }
0x9e: {  	[timem:s8], [sflag:s22] =	dma.local [hbm:s6], s20  }
0x9f: {  	_ =	swait.ge [sflag:s22], s20  }
0xa0: {  	s5 =	ssub.s32 $0x0, s20;
	[sflag:s22] =	ssyncset.done $0x0  }
0xa1: {  	[sflag:s22] =	ssyncadd.s32 s5;
	_ =	sdelay $0x1  }
0xa2: {  	s23 =	simm.s32 $0x1B8B  }
0xa3: {  	_ =	swait.ge [sflag:s23], $0x1  }
0xa4: {  	[sflag:s23] =	ssyncset.done $0x0  }
0xa5: {  	s25 =	simm.s32 $0x1B8E;
	s24 =	sld [smem:$0x3FFE];
	[sflag:s23] =	ssyncadd.s32 $0xFFFFFFFF  }
0xa6: {  	s26 =	simm.s32 $execute0_lowered;
	[smem:$0x3FD2] =	sst s25  }
0xa7: {  	s6 =	sshll.u32 s26, $0x1;
	_ =	strace $0x80000046;
	[dreg:$0x1] =	wrdreg $0xFFFFFFFF  }
0xa8: {  	s28 =	simm.s32 $_size_execute0_lowered;
	s4 =	sadd.s32 s4, s6;
	[dreg:$0x0] =	wrdreg $0x0  }
0xa9: {  	s6 =	sshll.u32 s28, $0x1;
	[dreg:$0x2] =	wrdreg s4  }
0xaa: {  	[dreg:$0x3] =	wrdreg s6  }
0xab: {  	[dreg:$0x4] =	wrdreg $0xC0  }
0xac: {  	_ =	task [dreg:s8], $0x5FFFF  }
0xad: {  	[dreg:$0x1] =	wrdreg $0xFFFFFFFF  }
0xae: {  	[dreg:$0x0] =	wrdreg $0x60  }
0xaf: {  	[dreg:$0x2] =	wrdreg s2  }
0xb0: {  	[dreg:$0x3] =	wrdreg s24  }
0xb1: {  	[dreg:$0x4] =	wrdreg s18  }
0xb2: {  	[dreg:$0x5] =	wrdreg $0x80800  }
0xb3: {  	[dreg:$0x6] =	wrdreg $0x9  }
0xb4: {  	_ =	task.clear_ibuf [dreg:s8], $0x7FFFF;
	_ =	strace $0x90000046  }
0xb5: {  	s29 =	simm.s32 $0x9;
	_ =	strace $0x80000048  }
0xb6: {  	_ =	swait.ge [sflag:s29], $0x1  }
0xb7: {  	[sflag:s29] =	ssyncadd.s32 $0xFFFFFFFF  }
0xb8: {  	_ =	strace $0x90000048  }
0xb9: {  	_ =	sfence  }
0xba: {  	s30 =	sld [smem:$0x0];
	_ =	sdelay $0x2  }
0xbb: {  	s31 =	sshll.u32 s1, $0xD;
	s1 =	sshrl.u32 s1, $0x2  }
0xbc: {  	s3 =	sand.u32 $0x4000, s31;
	s1 =	sadd.s32 s1, s30  }
0xbd: {  	s0 =	sor.u32 s3, s0;
	s1 =	sshll.u32 s1, $0x11  }
0xbe: {  	s0 =	sor.u32 s1, s0  }
0xbf: {  	s0 =	sadd.s32 $0x8F2B, s0  }
0xc0: {  	[sflag:s0] =	ssyncadd.remote.s32 $0x1  }
0xc1: {  	_ =	sfence.sel $0xFFFF  }
0xc2: {  	[dreg:$0x0] =	wrdreg $0xFFFFFFFF;
	(pc) =	sbr.abs _section_cstart, $3  }
0xc3: {  	[dreg:$0x1] =	wrdreg $0xFFFFFFFF  }
0xc4: {  	_ =	task.clear_ibuf [dreg:s8], $0x2FFFF;
	_ =	strace $0x9FFFFFFF  }
0xc5: {  	(tm) =	ssettm $0x7FFFFFFF  }
tec
execute0_lowered:
.L_overlay_start_1:
0x0: {  	(tag) =	ssettag $0x1  }
0x1: {  	s1 =	rddreg [dreg:$0x0]  }
0x2: {  	s7 =	rddreg [dreg:$0x1]  }
0x3: {  	s16 =	rddreg [dreg:$0x2]  }
0x4: {  	s2 =	rddreg [dreg:$0x3]  }
0x5: {  	s0 =	rddreg [dreg:$0x4];
	s4 =	simm.s32 $0x0;
	s3 =	srdreg.scid  }
0x6: {  	s23 =	simm.s32 $0x0;
	[smem:$0x7FF] =	sst s4;
	s14 =	sand.u32 $0x1, s3  }
0x7: {  	s3 =	stileid.u32;
	s15 =	sadd.s32 $0x1A00, s7;
	s8 =	smul.u32 $0x13C000, s14  }
0x8: {  	s5 =	sadd.s32 $0x4800, s7;
	s6 =	sadd.s32 $0x2000, s7;
	s9 =	smul.u32 $0x13C00, s3  }
0x9: {  	s17 =	sadd.s32 $0x5000, s7;
	_ =	strace $0x80000047;
	s11 =	smul.u32 $0x4F000, s3  }
0xa: {  	s24 =	ssub.s32 $0x2, s14;
	s25 =	sshll.u32 s14, $0x4;
	s20 =	smul.u32 $0x4F00, s14  }
0xb: {  	s28 =	sshll.u32 s3, $0x6;
	s22 =	smul.u32 $0x4F0, s3;
	s10 =	sshrl.u32 s24, $0x1  }
0xc: {  	s18 =	sor.u32 s3, s25;
	s8 =	sadd.s32 s9, s8;
	s9 =	ssub.s32 s24, s10  }
0xd: {  	s26 =	sshrl.u32 s11, $0x2;
	s29 =	sshll.u32 s18, $0x4;
	s13 =	sor.u32 $0x20, s18  }
0xe: {  	s30 =	sshll.u32 s18, $0xB;
	s18 =	sor.u32 $0x40, s18;
	s16 =	sadd.s32 s20, s16  }
0xf: {  	s20 =	simm.s32 $0x3;
	s8 =	sshrl.u32 s8, $0x3;
	s19 =	sadd.s32 s26, s2  }
0x10: {  	s9 =	smax.u32 s9, $0x1;
	s10 =	sadd.s32 s15, s29;
	s12 =	sshll.u32 s13, $0x4  }
0x11: {  	s11 =	sadd.s32 s17, s30;
	s13 =	sshll.u32 s13, $0xB;
	s31 =	sshll.u32 s18, $0x4  }
0x12: {  	s21 =	sshll.u32 s18, $0xB;
	s16 =	sadd.s32 s22, s16;
	p0 =	sgt.u32 s18, $0x4E  }
0x13: {  	s18 =	simm.s32 $0x2;
	s22 =	simm.s32 $0x1;
	s8 =	sadd.s32 s8, s7  }
0x14: {  	s7 =	sor.u32 $0x1C02, s28;
	s12 =	sadd.s32 s15, s12;
	s13 =	sadd.s32 s17, s13  }
0x15: {  	s14 =	sadd.s32 s15, s31;
	s15 =	sadd.s32 s17, s21;
	s17 =	sshrl.u32 s19, $0x3  }
0x16: {  	s19 =	simm.s32 $0x4080;
	s21 =	simm.s32 $0x80;
	s8 =	sadd.s32 $0x2C800, s8  }
.LBB2_1:
0x17: {  	[spmem:s17], [sflag:s7] =	dma.local [hbm:s6], $0x2780  }
0x18: {  	_ =	swait.ge [sflag:s18], $0x2780  }
0x19: {  	[sflag:s18] =	ssyncset.done $0x0  }
0x1a: {  	[sflag:s18] =	ssyncadd.s32 $0xFFFFD880  }
0x1b: {  	[tilespmem:s19], [sflag:$0x2] =	stream.linear.gather [hbm4b:s5+s4], $0x4000, $0x38;
	[tilespmem:$0x1BC80] =	vst v63  }
0x1c: {  	_ =	swait.ge [sflag:s18], $0x4000  }
0x1d: {  	[sflag:s18] =	ssyncset.done $0x0  }
0x1e: {  	[sflag:s18] =	ssyncadd.s32 $0xFFFFC000  }
0x1f: {  	[bflag:$0x0] =	sbarrier.arrive $0xFFFF  }
0x20: {  	[tilespmem:s4], [sflag:$0x3] =	stream.linear.gather [hbm4b:s10+s4], $0x80, $0x38;
	[tilespmem:$0x1BC80] =	vst v63  }
0x21: {  	_ =	swait.ge [sflag:s20], $0x80  }
0x22: {  	[sflag:s20] =	ssyncset.done $0x0  }
0x23: {  	[sflag:s20] =	ssyncadd.s32 $0xFFFFFF80  }
0x24: {  	[tilespmem:s21], [sflag:$0x1] =	stream.indirect.gather [hbm4b:s1+s21], $0x80, s4, s21, $0xb8;
	[tilespmem:$0x1BC80] =	vst v63  }
0x25: {  	_ =	swait.ge [sflag:s22], $0x4000  }
0x26: {  	[sflag:s22] =	ssyncset.done $0x0  }
0x27: {  	[sflag:s22] =	ssyncadd.s32 $0xFFFFC000  }
0x28: {  	[hbm4b:s11+s4] =	stream.linear.scatter [tilespmem:s21], [sflag:$0x2], $0x4000, $0x38;
	[tilespmem:$0x1BC80] =	vst v63  }
0x29: {  	_ =	swait.ge [sflag:s18], $0x4000  }
0x2a: {  	[sflag:s18] =	ssyncset.done $0x0  }
0x2b: {  	[sflag:s18] =	ssyncadd.s32 $0xFFFFC000  }
0x2c: {  	[tilespmem:s4], [sflag:$0x3] =	stream.linear.gather [hbm4b:s12+s4], $0x80, $0x38;
	[tilespmem:$0x1BC80] =	vst v63  }
0x2d: {  	_ =	swait.ge [sflag:s20], $0x80  }
0x2e: {  	[sflag:s20] =	ssyncset.done $0x0  }
0x2f: {  	[sflag:s20] =	ssyncadd.s32 $0xFFFFFF80  }
0x30: {  	[tilespmem:s21], [sflag:$0x1] =	stream.indirect.gather [hbm4b:s1+s21], $0x80, s4, s21, $0xb8;
	[tilespmem:$0x1BC80] =	vst v63  }
0x31: {  	_ =	swait.ge [sflag:s22], $0x4000  }
0x32: {  	[sflag:s22] =	ssyncset.done $0x0  }
0x33: {  	[sflag:s22] =	ssyncadd.s32 $0xFFFFC000  }
0x34: {  	[hbm4b:s13+s4] =	stream.linear.scatter [tilespmem:s21], [sflag:$0x2], $0x4000, $0x38;
	[tilespmem:$0x1BC80] =	vst v63  }
0x35: {  	_ =	swait.ge [sflag:s18], $0x4000  }
0x36: {  	[sflag:s18] =	ssyncset.done $0x0  }
0x37: {  	s24 =	simm.s32 @!p0 $0x0;
	s25 =	simm.s32 @!p0 $0x3;
	[sflag:s18] =	ssyncadd.s32 $0xFFFFC000  }
0x38: {  	[tilespmem:s24], [sflag:$0x3] =	stream.linear.gather @!p0 [hbm4b:s14+s24], $0x80, $0x38;
	[tilespmem:$0x1BC80] =	vst v63  }
0x39: {  	_ =	swait.ge @!p0 [sflag:s25], $0x80  }
0x3a: {  	[sflag:s25] =	ssyncset.done @!p0 $0x0  }
0x3b: {  	s26 =	simm.s32 @!p0 $0x1;
	[sflag:s25] =	ssyncadd.s32 @!p0 $0xFFFFFF80;
	s25 =	simm.s32 @!p0 $0x80  }
0x3c: {  	[tilespmem:s25], [sflag:$0x1] =	stream.indirect.gather @!p0 [hbm4b:s1+s25], $0x80, s24, s25, $0xb8;
	[tilespmem:$0x1BC80] =	vst v63  }
0x3d: {  	_ =	swait.ge @!p0 [sflag:s26], $0x4000  }
0x3e: {  	[sflag:s26] =	ssyncset.done @!p0 $0x0  }
0x3f: {  	[sflag:s26] =	ssyncadd.s32 @!p0 $0xFFFFC000  }
0x40: {  	[hbm4b:s15+s24] =	stream.linear.scatter @!p0 [tilespmem:s25], [sflag:$0x2], $0x4000, $0x38;
	[tilespmem:$0x1BC80] =	vst v63  }
0x41: {  	s24 =	simm.s32 @!p0 $0x2  }
0x42: {  	_ =	swait.ge @!p0 [sflag:s24], $0x4000  }
0x43: {  	[sflag:s24] =	ssyncset.done @!p0 $0x0  }
0x44: {  	s31 =	sadd.s32 $0x0, s16;
	[sflag:s24] =	ssyncadd.s32 @!p0 $0xFFFFC000  }
0x45: {  	[tilespmem:s4], [sflag:$0x2] =	stream.linear.gather [hbm4b:s31+s4], $0x80, $0x38;
	[tilespmem:$0x1BC80] =	vst v63  }
0x46: {  	_ =	swait.ge [sflag:s18], $0x80  }
0x47: {  	[sflag:s18] =	ssyncset.done $0x0  }
0x48: {  	[sflag:s18] =	ssyncadd.s32 $0xFFFFFF80  }
0x49: {  	[spmem:s2] =	stream.indirect.scatter.add.f32 [tilespmem:s19], [sflag:$0x2], $0x80, s4, s21, $0xb8;
	[tilespmem:$0x1BC80] =	vst v63  }
0x4a: {  	_ =	swait.ge [sflag:s18], $0x4000  }
0x4b: {  	s25 =	simm.s32 $0x20;
	s24 =	simm.s32 $0x10;
	[sflag:s18] =	ssyncset.done $0x0  }
.LBB2_2:
0x4c: {  	s26 =	sadd.s32 s24, s16  }
0x4d: {  	[sflag:s18] =	ssyncadd.s32 $0xFFFFC000;
	s24 =	smov.u32 s25;
	s28 =	sadd.s32 $0x10, s25  }
0x4e: {  	[tilespmem:s4], [sflag:$0x2] =	stream.linear.gather [hbm4b:s26+s4], $0x80, $0x38;
	[tilespmem:$0x1BC80] =	vst v63  }
0x4f: {  	p1 =	sne.s32 s25, $0x4E0;
	_ =	swait.ge [sflag:s18], $0x80  }
.Ltmp0:
0x50: {  	[sflag:s18] =	ssyncset.done $0x0;
	(pc) =	sbr.rel @p1 .LBB2_2-.Ltmp0, $4  }
0x51: {  	[sflag:s18] =	ssyncadd.s32 $0xFFFFFF80  }
0x52: {  	[spmem:s2] =	stream.indirect.scatter.add.f32 [tilespmem:s19], [sflag:$0x2], $0x80, s4, s21, $0xb8;
	[tilespmem:$0x1BC80] =	vst v63  }
0x53: {  	_ =	swait.ge [sflag:s18], $0x4000  }
0x54: {  	s25 =	smov.u32 s28;
	[sflag:s18] =	ssyncset.done $0x0  }
0x55: {  	s24 =	sadd.s32 s24, s16;
	[sflag:s18] =	ssyncadd.s32 $0xFFFFC000  }
0x56: {  	[tilespmem:s4], [sflag:$0x2] =	stream.linear.gather [hbm4b:s24+s4], $0x80, $0x38;
	[tilespmem:$0x1BC80] =	vst v63  }
0x57: {  	_ =	swait.ge [sflag:s18], $0x80  }
0x58: {  	[sflag:s18] =	ssyncset.done $0x0  }
0x59: {  	[sflag:s18] =	ssyncadd.s32 $0xFFFFFF80  }
0x5a: {  	[spmem:s2] =	stream.indirect.scatter.add.f32 [tilespmem:s19], [sflag:$0x2], $0x80, s4, s21, $0xb8;
	[tilespmem:$0x1BC80] =	vst v63  }
0x5b: {  	_ =	swait.ge [sflag:s18], $0x4000  }
0x5c: {  	s23 =	sadd.s32 $0x1, s23;
	[sflag:s18] =	ssyncset.done $0x0  }
0x5d: {  	p1 =	sne.s32 s23, s9;
	[sflag:s18] =	ssyncadd.s32 $0xFFFFC000  }
.Ltmp1:
0x5e: {  	[bflag:$0x0] =	sbarrier.arrive $0xFFFF;
	(pc) =	sbr.rel @p1 .LBB2_1-.Ltmp1, $4  }
0x5f: {  	[hbm:s8], [sflag:s7] =	dma.local [spmem:s17], $0x2780  }
0x60: {  	_ =	swait.ge [sflag:s18], $0x2780  }
0x61: {  	[sflag:s18] =	ssyncset.done $0x0  }
0x62: {  	[sflag:s18] =	ssyncadd.s32 $0xFFFFD880  }
0x63: {  	_ =	sfence.sel $0x180000  }
0x64: {  	[bflag:$0x0] =	sbarrier.arrive $0xFFFF  }
0x65: {  	p0 =	sne.s32 s3, $0x0;
	_ =	strace $0x90000047  }
0x66: {  	s0 =	sadd.s32 @!p0 $0x100000, s0;
	[bflag:$0x2] =	sbarrier.arrive $0xFFFF  }
0x67: {  	[sflag:s0] =	ssyncadd.tile.s32 @!p0 $0x1;
	_ =	shalt  }
.Lfunc_end2:
_tile_overlayer_lowered:
.L_overlay_start_2:
0x68: {  	(tag) =	ssettag $0x2  }
0x69: {  	s0 =	rddreg [dreg:$0x0];
	s2 =	stileid.u32  }
0x6a: {  	s1 =	rddreg [dreg:$0x1];
	p0 =	sne.s32 s2, $0x0  }
0x6b: {  	s3 =	rddreg [dreg:$0x2];
	[bflag:$0x3] =	sbarrier.arrive $0xFFFF;
	s2 =	simm.s32 @!p0 $0x1C02  }
0x6c: {  	[timem:s3], [sflag:s2] =	dma.local @!p0 [hbm:s0], s1  }
0x6d: {  	s0 =	simm.s32 @!p0 $0x2  }
0x6e: {  	_ =	swait.ge @!p0 [sflag:s0], s1  }
0x6f: {  	s1 =	ssub.s32 @!p0 $0x0, s1;
	[sflag:s0] =	ssyncset.done @!p0 $0x0  }
0x70: {  	[sflag:s0] =	ssyncadd.s32 @!p0 s1  }
0x71: {  	[bflag:$0x3] =	sbarrier.arrive $0xFFFF  }
0x72: {  	_ =	shalt  }

</sc_bundles>
